<compile_context>
chip_gen: v7x
topology: tpu7x:2x2x1
jax: 0.10.2.dev20260603
libtpu: 0.0.44.dev20260713+nightly
codegen_flags: <defaults>
</compile_context>

<pallas_src>
import jax
import jax.numpy as jnp
from jax import lax
from jax.experimental import pallas as pl
from jax.experimental.pallas import tpu as pltpu
from jax.experimental.pallas import tpu_sc as plsc

NC, NS, L = 2, 16, 16
NW = NC * NS
B = 16384
D = 32
BPW = B // NW
CHUNK = 64
NCHUNK = BPW // CHUNK
QROWS = 250000
NSTREAM = 1


def _body(uidx_hbm, iidx_hbm, utT_hbm, itT_hbm, gb_hbm, out_hbm,
          uidx_v, iidx_v, ugr_v, igr_v, uix_v, iix_v, gb_v, out_v, sem):
    wid = lax.axis_index("s") * NC + lax.axis_index("c")
    pltpu.sync_copy(uidx_hbm.at[wid], uidx_v)
    pltpu.sync_copy(iidx_hbm.at[wid], iidx_v)
    pltpu.sync_copy(gb_hbm, gb_v)


    gb = gb_v[...]
    lane = lax.iota(jnp.int32, L)

    def chunk_fn(ch, _):
        base = ch * CHUNK

        def build(g, _):
            off = g * L
            uix_v[pl.ds(off, L)] = uidx_v[pl.ds(base + off, L)]
            iix_v[pl.ds(off, L)] = iidx_v[pl.ds(base + off, L)]
            return 0

        lax.fori_loop(0, CHUNK // L, build, 0)

        cu = pltpu.async_copy(utT_hbm.at[uix_v], ugr_v, sem)
        ci = pltpu.async_copy(itT_hbm.at[iix_v], igr_v, sem)
        cu.wait()
        ci.wait()

        def extract(g, _):
            rows = g * L + lane
            acc = jnp.zeros((L,), jnp.float32)
            for c in range(D):
                cc = jnp.full((L,), c, jnp.int32)
                u = plsc.load_gather(ugr_v, [rows, cc])
                i = plsc.load_gather(igr_v, [rows, cc])
                acc = acc + u * i
            pred = acc + gb
            out_v[pl.ds(base + g * L, L)] = 1.0 / (1.0 + jnp.exp(-pred))
            return 0

        lax.fori_loop(0, CHUNK // L, extract, 0)
        return 0

    lax.fori_loop(0, NCHUNK, chunk_fn, 0)
    pltpu.sync_copy(out_v, out_hbm.at[wid])


@jax.jit
def _call(user_idx, item_idx, utT, itT, gb16):
    mesh = plsc.VectorSubcoreMesh(core_axis_name="c", subcore_axis_name="s",
                                  num_cores=NC, num_subcores=NS)
    fn = pl.kernel(
        _body,
        out_type=jax.ShapeDtypeStruct((NW, BPW), jnp.float32),
        mesh=mesh,
        compiler_params=pltpu.CompilerParams(needs_layout_passes=False,
                                             use_tc_tiling_on_sc=False),
        scratch_types=[
            pltpu.VMEM((BPW,), jnp.int32),
            pltpu.VMEM((BPW,), jnp.int32),
            pltpu.VMEM((CHUNK, 128), jnp.float32),
            pltpu.VMEM((CHUNK, 128), jnp.float32),
            pltpu.VMEM((CHUNK,), jnp.int32),
            pltpu.VMEM((CHUNK,), jnp.int32),
            pltpu.VMEM((L,), jnp.float32),
            pltpu.VMEM((BPW,), jnp.float32),
            pltpu.SemaphoreType.DMA,
        ],
    )
    out = fn(user_idx.reshape(NW, BPW), item_idx.reshape(NW, BPW),
             utT, itT, gb16)
    return out.reshape(B)


def kernel(user_idx, item_idx, user_table, item_table,
           user_bias_table, item_bias_table, global_bias):
    gb16 = jnp.broadcast_to(global_bias.astype(jnp.float32), (L,))
    return _call(user_idx.astype(jnp.int32), item_idx.astype(jnp.int32),
                 jnp.pad(user_table, ((0, 0), (0, 96))),
                 jnp.pad(item_table, ((0, 0), (0, 96))), gb16)

# --- scband reference (transcript-rebuilt; emitter-appended) ---
"""Pipeline reference for scband-mfmodel-18648747999520 (READ-ONLY COPY).

The authoritative reference and input builder live on the scoring server;
editing this copy changes nothing except your own understanding.
"""

import jax, jax.numpy as jnp
import numpy as np

N_USERS = 1000000
N_ITEMS = 1000000
EMBED_DIM = 32
BATCH = 16384

def setup_inputs(seed: int = 0) -> dict:
    key = jax.random.key(seed)
    k1, k2, k3, k4 = jax.random.split(key, 4)
    user_idx = jax.random.randint(k1, (BATCH,), 0, N_USERS, dtype=jnp.int64 if jax.config.jax_enable_x64 else jnp.int32)
    item_idx = jax.random.randint(k2, (BATCH,), 0, N_ITEMS, dtype=jnp.int64 if jax.config.jax_enable_x64 else jnp.int32)
    user_table = jax.random.normal(k3, (N_USERS, EMBED_DIM), dtype=jnp.float32) * 0.01
    item_table = jax.random.normal(k4, (N_ITEMS, EMBED_DIM), dtype=jnp.float32) * 0.01
    user_bias_table = jnp.zeros((N_USERS, 1), dtype=jnp.float32)
    item_bias_table = jnp.zeros((N_ITEMS, 1), dtype=jnp.float32)
    global_bias = jnp.zeros((1,), dtype=jnp.float32)
    return {
        "user_idx": user_idx,
        "item_idx": item_idx,
        "user_table": user_table,
        "item_table": item_table,
        "user_bias_table": user_bias_table,
        "item_bias_table": item_bias_table,
        "global_bias": global_bias,
    }

def reference(user_idx, item_idx, user_table, item_table, user_bias_table, item_bias_table, global_bias):
    user_emb = jnp.take(user_table, user_idx, axis=0)          # [B, D]
    item_emb = jnp.take(item_table, item_idx, axis=0)          # [B, D]
    dot = jnp.sum(user_emb * item_emb, axis=1)                 # [B]
    user_b = jnp.take(user_bias_table, user_idx, axis=0).squeeze()  # [B]
    item_b = jnp.take(item_bias_table, item_idx, axis=0).squeeze()  # [B]
    prediction = dot + user_b + item_b + global_bias           # [B]
    return jax.nn.sigmoid(prediction)

if __name__ == "__main__":
    import jax
    _d = setup_inputs()
    print(jax.jit(kernel)(*tuple(_d.values())))

</pallas_src>

<mosaic_0001>
#map = affine_map<(d0, d1) -> (0, 0)>
#map1 = affine_map<(d0, d1) -> (0)>
module attributes {stable_mosaic.version = 14 : i64} {
  func.func @_body(%arg0: i32, %arg1: i32, %arg2: memref<32x512xi32, #tpu.memory_space<hbm>>, %arg3: memref<32x512xi32, #tpu.memory_space<hbm>>, %arg4: memref<1000000x128xf32, #tpu.memory_space<hbm>>, %arg5: memref<1000000x128xf32, #tpu.memory_space<hbm>>, %arg6: memref<16xf32, #tpu.memory_space<hbm>>, %arg7: memref<32x512xf32, #tpu.memory_space<hbm>>, %arg8: memref<512xi32, #tpu.memory_space<vmem>>, %arg9: memref<512xi32, #tpu.memory_space<vmem>>, %arg10: memref<64x128xf32, #tpu.memory_space<vmem>>, %arg11: memref<64x128xf32, #tpu.memory_space<vmem>>, %arg12: memref<64xi32, #tpu.memory_space<vmem>>, %arg13: memref<64xi32, #tpu.memory_space<vmem>>, %arg14: memref<16xf32, #tpu.memory_space<vmem>>, %arg15: memref<512xf32, #tpu.memory_space<vmem>>, %arg16: memref<!tpu.dma_semaphore, #tpu.memory_space<semaphore_mem>>) attributes {dimension_semantics = [#tpu.dimension_semantics<core_parallel>, #tpu.dimension_semantics<subcore_parallel>], iteration_bounds = array<i64: 2, 16>, scalar_prefetch = 0 : i64, scratch_operands = 9 : i64, tpu.core_type = #tpu.core_type<sc_vector_subcore>, window_params = [{transform_indices = #map}, {transform_indices = #map}, {transform_indices = #map}, {transform_indices = #map}, {transform_indices = #map1}, {transform_indices = #map}]} {
    %mul3A = arith.constant 2 : i32
    %mul3A_0 = arith.muli %arg1, %mul3A : i32
    %add3A = arith.addi %mul3A_0, %arg0 : i32
    "tpu.region"() ({
      %run_scoped3A = tpu.sem_alloc : memref<!tpu.dma_semaphore, #tpu.memory_space<semaphore_mem>>
      %dma_start3A = arith.constant 0 : i32
      %dma_start3A_8 = tpu.memref_slice %arg2[%add3A, %dma_start3A] : memref<32x512xi32, #tpu.memory_space<hbm>> -> memref<1x512xi32, #tpu.memory_space<hbm>>
      %dma_start3A_9 = tpu.memref_squeeze %dma_start3A_8 : memref<1x512xi32, #tpu.memory_space<hbm>> -> memref<512xi32, #tpu.memory_space<hbm>>
      %dma_start3A_10 = arith.constant 0 : i32
      %dma_start3A_11 = tpu.memref_slice %arg2[%add3A, %dma_start3A_10] : memref<32x512xi32, #tpu.memory_space<hbm>> -> memref<1x512xi32, #tpu.memory_space<hbm>>
      %dma_start3A_12 = tpu.memref_squeeze %dma_start3A_11 : memref<1x512xi32, #tpu.memory_space<hbm>> -> memref<512xi32, #tpu.memory_space<hbm>>
      tpu.enqueue_dma source(%dma_start3A_12 : memref<512xi32, #tpu.memory_space<hbm>>) target(%arg8 : memref<512xi32, #tpu.memory_space<vmem>>) target_semaphore(%run_scoped3A : memref<!tpu.dma_semaphore, #tpu.memory_space<semaphore_mem>>)
      %dma_wait3A = arith.constant 0 : i32
      %dma_wait3A_13 = tpu.memref_slice %arg2[%add3A, %dma_wait3A] : memref<32x512xi32, #tpu.memory_space<hbm>> -> memref<1x512xi32, #tpu.memory_space<hbm>>
      %dma_wait3A_14 = tpu.memref_squeeze %dma_wait3A_13 : memref<1x512xi32, #tpu.memory_space<hbm>> -> memref<512xi32, #tpu.memory_space<hbm>>
      %dma_wait3A_15 = arith.constant 0 : i32
      %dma_wait3A_16 = tpu.memref_slice %arg2[%add3A, %dma_wait3A_15] : memref<32x512xi32, #tpu.memory_space<hbm>> -> memref<1x512xi32, #tpu.memory_space<hbm>>
      %dma_wait3A_17 = tpu.memref_squeeze %dma_wait3A_16 : memref<1x512xi32, #tpu.memory_space<hbm>> -> memref<512xi32, #tpu.memory_space<hbm>>
      tpu.wait_dma2 semaphore(%run_scoped3A : memref<!tpu.dma_semaphore, #tpu.memory_space<semaphore_mem>>) src(%dma_wait3A_17 : memref<512xi32, #tpu.memory_space<hbm>>) dst(%arg8 : memref<512xi32, #tpu.memory_space<vmem>>)
      tpu.yield
    }) : () -> ()
    "tpu.region"() ({
      %run_scoped3A = tpu.sem_alloc : memref<!tpu.dma_semaphore, #tpu.memory_space<semaphore_mem>>
      %dma_start3A = arith.constant 0 : i32
      %dma_start3A_8 = tpu.memref_slice %arg3[%add3A, %dma_start3A] : memref<32x512xi32, #tpu.memory_space<hbm>> -> memref<1x512xi32, #tpu.memory_space<hbm>>
      %dma_start3A_9 = tpu.memref_squeeze %dma_start3A_8 : memref<1x512xi32, #tpu.memory_space<hbm>> -> memref<512xi32, #tpu.memory_space<hbm>>
      %dma_start3A_10 = arith.constant 0 : i32
      %dma_start3A_11 = tpu.memref_slice %arg3[%add3A, %dma_start3A_10] : memref<32x512xi32, #tpu.memory_space<hbm>> -> memref<1x512xi32, #tpu.memory_space<hbm>>
      %dma_start3A_12 = tpu.memref_squeeze %dma_start3A_11 : memref<1x512xi32, #tpu.memory_space<hbm>> -> memref<512xi32, #tpu.memory_space<hbm>>
      tpu.enqueue_dma source(%dma_start3A_12 : memref<512xi32, #tpu.memory_space<hbm>>) target(%arg9 : memref<512xi32, #tpu.memory_space<vmem>>) target_semaphore(%run_scoped3A : memref<!tpu.dma_semaphore, #tpu.memory_space<semaphore_mem>>)
      %dma_wait3A = arith.constant 0 : i32
      %dma_wait3A_13 = tpu.memref_slice %arg3[%add3A, %dma_wait3A] : memref<32x512xi32, #tpu.memory_space<hbm>> -> memref<1x512xi32, #tpu.memory_space<hbm>>
      %dma_wait3A_14 = tpu.memref_squeeze %dma_wait3A_13 : memref<1x512xi32, #tpu.memory_space<hbm>> -> memref<512xi32, #tpu.memory_space<hbm>>
      %dma_wait3A_15 = arith.constant 0 : i32
      %dma_wait3A_16 = tpu.memref_slice %arg3[%add3A, %dma_wait3A_15] : memref<32x512xi32, #tpu.memory_space<hbm>> -> memref<1x512xi32, #tpu.memory_space<hbm>>
      %dma_wait3A_17 = tpu.memref_squeeze %dma_wait3A_16 : memref<1x512xi32, #tpu.memory_space<hbm>> -> memref<512xi32, #tpu.memory_space<hbm>>
      tpu.wait_dma2 semaphore(%run_scoped3A : memref<!tpu.dma_semaphore, #tpu.memory_space<semaphore_mem>>) src(%dma_wait3A_17 : memref<512xi32, #tpu.memory_space<hbm>>) dst(%arg9 : memref<512xi32, #tpu.memory_space<vmem>>)
      tpu.yield
    }) : () -> ()
    "tpu.region"() ({
      %run_scoped3A = tpu.sem_alloc : memref<!tpu.dma_semaphore, #tpu.memory_space<semaphore_mem>>
      tpu.enqueue_dma source(%arg6 : memref<16xf32, #tpu.memory_space<hbm>>) target(%arg14 : memref<16xf32, #tpu.memory_space<vmem>>) target_semaphore(%run_scoped3A : memref<!tpu.dma_semaphore, #tpu.memory_space<semaphore_mem>>)
      tpu.wait_dma2 semaphore(%run_scoped3A : memref<!tpu.dma_semaphore, #tpu.memory_space<semaphore_mem>>) src(%arg6 : memref<16xf32, #tpu.memory_space<hbm>>) dst(%arg14 : memref<16xf32, #tpu.memory_space<vmem>>)
      tpu.yield
    }) : () -> ()
    %get3A = arith.constant 0 : index
    %get3A_1 = tpu.vector_load %arg14[%get3A] {strides = array<i32>} : memref<16xf32, #tpu.memory_space<vmem>>, vector<16xf32>,
    %iota3A = tpu.iota {dimensions = array<i32: 0>} : vector<16xi32>
    %scan3A = arith.constant 0 : i32
    %scan3A_2 = arith.constant 0 : i32
    %scan3A_3 = arith.constant 8 : i32
    %scan3A_4 = arith.addi %scan3A_2, %scan3A_3 : i32
    %scan3A_5 = arith.constant 1 : i32
    %scan3A_6 = scf.for %scan3A_8 = %scan3A_2 to %scan3A_4 step %scan3A_5 iter_args(%scan3A_9 = %scan3A) -> (i32)  : i32 {
      %mul3A_10 = arith.constant 64 : i32
      %mul3A_11 = arith.muli %scan3A_8, %mul3A_10 : i32
      %scan3A_12 = arith.constant 0 : i32
      %scan3A_13 = arith.constant 0 : i32
      %scan3A_14 = arith.constant 4 : i32
      %scan3A_15 = arith.addi %scan3A_13, %scan3A_14 : i32
      %scan3A_16 = arith.constant 1 : i32
      %scan3A_17 = scf.for %scan3A_37 = %scan3A_13 to %scan3A_15 step %scan3A_16 iter_args(%scan3A_38 = %scan3A_12) -> (i32)  : i32 {
        %mul3A_39 = arith.constant 16 : i32
        %mul3A_40 = arith.muli %scan3A_37, %mul3A_39 : i32
        %add3A_41 = arith.addi %mul3A_11, %mul3A_40 : i32
        %get3A_42 = arith.index_cast %add3A_41 : i32 to index
        %get3A_43 = tpu.vector_load %arg8[%get3A_42] {strides = array<i32>} : memref<512xi32, #tpu.memory_space<vmem>>, vector<16xi32>,
        %swap3A = arith.index_cast %mul3A_40 : i32 to index
        %swap3A_44 = tpu.vector_load %arg12[%swap3A] {strides = array<i32>} : memref<64xi32, #tpu.memory_space<vmem>>, vector<16xi32>,
        tpu.vector_store %arg12[%swap3A], %get3A_43 {strides = array<i32>} : memref<64xi32, #tpu.memory_space<vmem>>, vector<16xi32>,
        %add3A_45 = arith.addi %mul3A_11, %mul3A_40 : i32
        %get3A_46 = arith.index_cast %add3A_45 : i32 to index
        %get3A_47 = tpu.vector_load %arg9[%get3A_46] {strides = array<i32>} : memref<512xi32, #tpu.memory_space<vmem>>, vector<16xi32>,
        %swap3A_48 = arith.index_cast %mul3A_40 : i32 to index
        %swap3A_49 = tpu.vector_load %arg13[%swap3A_48] {strides = array<i32>} : memref<64xi32, #tpu.memory_space<vmem>>, vector<16xi32>,
        tpu.vector_store %arg13[%swap3A_48], %get3A_47 {strides = array<i32>} : memref<64xi32, #tpu.memory_space<vmem>>, vector<16xi32>,
        %scan3A_50 = arith.constant 0 : i32
        scf.yield %scan3A_50 : i32
      }
      %scan3A_18 = arith.constant 4 : i32
      %dma_start3A = arith.constant 0 : i32
      %dma_start3A_19 = arith.constant 0 : i32
      %dma_start3A_20 = tpu.memref_slice %arg4[%dma_start3A, %dma_start3A_19] : memref<1000000x128xf32, #tpu.memory_space<hbm>> -> memref<1000000x128xf32, #tpu.memory_space<hbm>>
      tpu.enqueue_indirect_dma source(%dma_start3A_20 : memref<1000000x128xf32, #tpu.memory_space<hbm>>) target(%arg10 : memref<64x128xf32, #tpu.memory_space<vmem>>) offsets(%arg12 : memref<64xi32, #tpu.memory_space<vmem>>) semaphore(%arg16 : memref<!tpu.dma_semaphore, #tpu.memory_space<semaphore_mem>>)
      %dma_start3A_21 = arith.constant 0 : i32
      %dma_start3A_22 = arith.constant 0 : i32
      %dma_start3A_23 = tpu.memref_slice %arg5[%dma_start3A_21, %dma_start3A_22] : memref<1000000x128xf32, #tpu.memory_space<hbm>> -> memref<1000000x128xf32, #tpu.memory_space<hbm>>
      tpu.enqueue_indirect_dma source(%dma_start3A_23 : memref<1000000x128xf32, #tpu.memory_space<hbm>>) target(%arg11 : memref<64x128xf32, #tpu.memory_space<vmem>>) offsets(%arg13 : memref<64xi32, #tpu.memory_space<vmem>>) semaphore(%arg16 : memref<!tpu.dma_semaphore, #tpu.memory_space<semaphore_mem>>)
      %dma_wait3A = arith.constant 0 : i32
      %dma_wait3A_24 = arith.constant 0 : i32
      %dma_wait3A_25 = tpu.memref_slice %arg4[%dma_wait3A, %dma_wait3A_24] : memref<1000000x128xf32, #tpu.memory_space<hbm>> -> memref<1000000x128xf32, #tpu.memory_space<hbm>>
      tpu.wait_indirect_dma semaphore(%arg16 : memref<!tpu.dma_semaphore, #tpu.memory_space<semaphore_mem>>) src(%dma_wait3A_25 : memref<1000000x128xf32, #tpu.memory_space<hbm>>) dst(%arg10 : memref<64x128xf32, #tpu.memory_space<vmem>>)
      %dma_wait3A_26 = arith.constant 0 : i32
      %dma_wait3A_27 = arith.constant 0 : i32
      %dma_wait3A_28 = tpu.memref_slice %arg5[%dma_wait3A_26, %dma_wait3A_27] : memref<1000000x128xf32, #tpu.memory_space<hbm>> -> memref<1000000x128xf32, #tpu.memory_space<hbm>>
      tpu.wait_indirect_dma semaphore(%arg16 : memref<!tpu.dma_semaphore, #tpu.memory_space<semaphore_mem>>) src(%dma_wait3A_28 : memref<1000000x128xf32, #tpu.memory_space<hbm>>) dst(%arg11 : memref<64x128xf32, #tpu.memory_space<vmem>>)
      %scan3A_29 = arith.constant 0 : i32
      %scan3A_30 = arith.constant 0 : i32
      %scan3A_31 = arith.constant 4 : i32
      %scan3A_32 = arith.addi %scan3A_30, %scan3A_31 : i32
      %scan3A_33 = arith.constant 1 : i32
      %scan3A_34 = scf.for %scan3A_37 = %scan3A_30 to %scan3A_32 step %scan3A_33 iter_args(%scan3A_38 = %scan3A_29) -> (i32)  : i32 {
        %mul3A_39 = arith.constant 16 : i32
        %mul3A_40 = arith.muli %scan3A_37, %mul3A_39 : i32
        %add3A_41 = vector.broadcast %mul3A_40 : i32 to vector<16xi32>
        %add3A_42 = arith.addi %add3A_41, %iota3A : vector<16xi32>
        %broadcast_in_dim3A = arith.constant 0.000000e+00 : f32
        %broadcast_in_dim3A_43 = vector.broadcast %broadcast_in_dim3A : f32 to vector<16xf32>
        %broadcast_in_dim3A_44 = arith.constant 0 : i32
        %broadcast_in_dim3A_45 = vector.broadcast %broadcast_in_dim3A_44 : i32 to vector<16xi32>
        %gather3A = tpu.vector_load_idx %arg10[%add3A_42, %broadcast_in_dim3A_45] : memref<64x128xf32, #tpu.memory_space<vmem>>[vector<16xi32>, vector<16xi32>], vector<16xf32>,
        %gather3A_46 = tpu.vector_load_idx %arg11[%add3A_42, %broadcast_in_dim3A_45] : memref<64x128xf32, #tpu.memory_space<vmem>>[vector<16xi32>, vector<16xi32>], vector<16xf32>,
        %mul3A_47 = arith.mulf %gather3A, %gather3A_46 : vector<16xf32>
        %add3A_48 = arith.addf %broadcast_in_dim3A_43, %mul3A_47 : vector<16xf32>
        %broadcast_in_dim3A_49 = arith.constant 1 : i32
        %broadcast_in_dim3A_50 = vector.broadcast %broadcast_in_dim3A_49 : i32 to vector<16xi32>
        %gather3A_51 = tpu.vector_load_idx %arg10[%add3A_42, %broadcast_in_dim3A_50] : memref<64x128xf32, #tpu.memory_space<vmem>>[vector<16xi32>, vector<16xi32>], vector<16xf32>,
        %gather3A_52 = tpu.vector_load_idx %arg11[%add3A_42, %broadcast_in_dim3A_50] : memref<64x128xf32, #tpu.memory_space<vmem>>[vector<16xi32>, vector<16xi32>], vector<16xf32>,
        %mul3A_53 = arith.mulf %gather3A_51, %gather3A_52 : vector<16xf32>
        %add3A_54 = arith.addf %add3A_48, %mul3A_53 : vector<16xf32>
        %broadcast_in_dim3A_55 = arith.constant 2 : i32
        %broadcast_in_dim3A_56 = vector.broadcast %broadcast_in_dim3A_55 : i32 to vector<16xi32>
        %gather3A_57 = tpu.vector_load_idx %arg10[%add3A_42, %broadcast_in_dim3A_56] : memref<64x128xf32, #tpu.memory_space<vmem>>[vector<16xi32>, vector<16xi32>], vector<16xf32>,
        %gather3A_58 = tpu.vector_load_idx %arg11[%add3A_42, %broadcast_in_dim3A_56] : memref<64x128xf32, #tpu.memory_space<vmem>>[vector<16xi32>, vector<16xi32>], vector<16xf32>,
        %mul3A_59 = arith.mulf %gather3A_57, %gather3A_58 : vector<16xf32>
        %add3A_60 = arith.addf %add3A_54, %mul3A_59 : vector<16xf32>
        %broadcast_in_dim3A_61 = arith.constant 3 : i32
        %broadcast_in_dim3A_62 = vector.broadcast %broadcast_in_dim3A_61 : i32 to vector<16xi32>
        %gather3A_63 = tpu.vector_load_idx %arg10[%add3A_42, %broadcast_in_dim3A_62] : memref<64x128xf32, #tpu.memory_space<vmem>>[vector<16xi32>, vector<16xi32>], vector<16xf32>,
        %gather3A_64 = tpu.vector_load_idx %arg11[%add3A_42, %broadcast_in_dim3A_62] : memref<64x128xf32, #tpu.memory_space<vmem>>[vector<16xi32>, vector<16xi32>], vector<16xf32>,
        %mul3A_65 = arith.mulf %gather3A_63, %gather3A_64 : vector<16xf32>
        %add3A_66 = arith.addf %add3A_60, %mul3A_65 : vector<16xf32>
        %broadcast_in_dim3A_67 = arith.constant 4 : i32
        %broadcast_in_dim3A_68 = vector.broadcast %broadcast_in_dim3A_67 : i32 to vector<16xi32>
        %gather3A_69 = tpu.vector_load_idx %arg10[%add3A_42, %broadcast_in_dim3A_68] : memref<64x128xf32, #tpu.memory_space<vmem>>[vector<16xi32>, vector<16xi32>], vector<16xf32>,
        %gather3A_70 = tpu.vector_load_idx %arg11[%add3A_42, %broadcast_in_dim3A_68] : memref<64x128xf32, #tpu.memory_space<vmem>>[vector<16xi32>, vector<16xi32>], vector<16xf32>,
        %mul3A_71 = arith.mulf %gather3A_69, %gather3A_70 : vector<16xf32>
        %add3A_72 = arith.addf %add3A_66, %mul3A_71 : vector<16xf32>
        %broadcast_in_dim3A_73 = arith.constant 5 : i32
        %broadcast_in_dim3A_74 = vector.broadcast %broadcast_in_dim3A_73 : i32 to vector<16xi32>
        %gather3A_75 = tpu.vector_load_idx %arg10[%add3A_42, %broadcast_in_dim3A_74] : memref<64x128xf32, #tpu.memory_space<vmem>>[vector<16xi32>, vector<16xi32>], vector<16xf32>,
        %gather3A_76 = tpu.vector_load_idx %arg11[%add3A_42, %broadcast_in_dim3A_74] : memref<64x128xf32, #tpu.memory_space<vmem>>[vector<16xi32>, vector<16xi32>], vector<16xf32>,
        %mul3A_77 = arith.mulf %gather3A_75, %gather3A_76 : vector<16xf32>
        %add3A_78 = arith.addf %add3A_72, %mul3A_77 : vector<16xf32>
        %broadcast_in_dim3A_79 = arith.constant 6 : i32
        %broadcast_in_dim3A_80 = vector.broadcast %broadcast_in_dim3A_79 : i32 to vector<16xi32>
        %gather3A_81 = tpu.vector_load_idx %arg10[%add3A_42, %broadcast_in_dim3A_80] : memref<64x128xf32, #tpu.memory_space<vmem>>[vector<16xi32>, vector<16xi32>], vector<16xf32>,
        %gather3A_82 = tpu.vector_load_idx %arg11[%add3A_42, %broadcast_in_dim3A_80] : memref<64x128xf32, #tpu.memory_space<vmem>>[vector<16xi32>, vector<16xi32>], vector<16xf32>,
        %mul3A_83 = arith.mulf %gather3A_81, %gather3A_82 : vector<16xf32>
        %add3A_84 = arith.addf %add3A_78, %mul3A_83 : vector<16xf32>
        %broadcast_in_dim3A_85 = arith.constant 7 : i32
        %broadcast_in_dim3A_86 = vector.broadcast %broadcast_in_dim3A_85 : i32 to vector<16xi32>
        %gather3A_87 = tpu.vector_load_idx %arg10[%add3A_42, %broadcast_in_dim3A_86] : memref<64x128xf32, #tpu.memory_space<vmem>>[vector<16xi32>, vector<16xi32>], vector<16xf32>,
        %gather3A_88 = tpu.vector_load_idx %arg11[%add3A_42, %broadcast_in_dim3A_86] : memref<64x128xf32, #tpu.memory_space<vmem>>[vector<16xi32>, vector<16xi32>], vector<16xf32>,
        %mul3A_89 = arith.mulf %gather3A_87, %gather3A_88 : vector<16xf32>
        %add3A_90 = arith.addf %add3A_84, %mul3A_89 : vector<16xf32>
        %broadcast_in_dim3A_91 = arith.constant 8 : i32
        %broadcast_in_dim3A_92 = vector.broadcast %broadcast_in_dim3A_91 : i32 to vector<16xi32>
        %gather3A_93 = tpu.vector_load_idx %arg10[%add3A_42, %broadcast_in_dim3A_92] : memref<64x128xf32, #tpu.memory_space<vmem>>[vector<16xi32>, vector<16xi32>], vector<16xf32>,
        %gather3A_94 = tpu.vector_load_idx %arg11[%add3A_42, %broadcast_in_dim3A_92] : memref<64x128xf32, #tpu.memory_space<vmem>>[vector<16xi32>, vector<16xi32>], vector<16xf32>,
        %mul3A_95 = arith.mulf %gather3A_93, %gather3A_94 : vector<16xf32>
        %add3A_96 = arith.addf %add3A_90, %mul3A_95 : vector<16xf32>
        %broadcast_in_dim3A_97 = arith.constant 9 : i32
        %broadcast_in_dim3A_98 = vector.broadcast %broadcast_in_dim3A_97 : i32 to vector<16xi32>
        %gather3A_99 = tpu.vector_load_idx %arg10[%add3A_42, %broadcast_in_dim3A_98] : memref<64x128xf32, #tpu.memory_space<vmem>>[vector<16xi32>, vector<16xi32>], vector<16xf32>,
        %gather3A_100 = tpu.vector_load_idx %arg11[%add3A_42, %broadcast_in_dim3A_98] : memref<64x128xf32, #tpu.memory_space<vmem>>[vector<16xi32>, vector<16xi32>], vector<16xf32>,
        %mul3A_101 = arith.mulf %gather3A_99, %gather3A_100 : vector<16xf32>
        %add3A_102 = arith.addf %add3A_96, %mul3A_101 : vector<16xf32>
        %broadcast_in_dim3A_103 = arith.constant 10 : i32
        %broadcast_in_dim3A_104 = vector.broadcast %broadcast_in_dim3A_103 : i32 to vector<16xi32>
        %gather3A_105 = tpu.vector_load_idx %arg10[%add3A_42, %broadcast_in_dim3A_104] : memref<64x128xf32, #tpu.memory_space<vmem>>[vector<16xi32>, vector<16xi32>], vector<16xf32>,
        %gather3A_106 = tpu.vector_load_idx %arg11[%add3A_42, %broadcast_in_dim3A_104] : memref<64x128xf32, #tpu.memory_space<vmem>>[vector<16xi32>, vector<16xi32>], vector<16xf32>,
        %mul3A_107 = arith.mulf %gather3A_105, %gather3A_106 : vector<16xf32>
        %add3A_108 = arith.addf %add3A_102, %mul3A_107 : vector<16xf32>
        %broadcast_in_dim3A_109 = arith.constant 11 : i32
        %broadcast_in_dim3A_110 = vector.broadcast %broadcast_in_dim3A_109 : i32 to vector<16xi32>
        %gather3A_111 = tpu.vector_load_idx %arg10[%add3A_42, %broadcast_in_dim3A_110] : memref<64x128xf32, #tpu.memory_space<vmem>>[vector<16xi32>, vector<16xi32>], vector<16xf32>,
        %gather3A_112 = tpu.vector_load_idx %arg11[%add3A_42, %broadcast_in_dim3A_110] : memref<64x128xf32, #tpu.memory_space<vmem>>[vector<16xi32>, vector<16xi32>], vector<16xf32>,
        %mul3A_113 = arith.mulf %gather3A_111, %gather3A_112 : vector<16xf32>
        %add3A_114 = arith.addf %add3A_108, %mul3A_113 : vector<16xf32>
        %broadcast_in_dim3A_115 = arith.constant 12 : i32
        %broadcast_in_dim3A_116 = vector.broadcast %broadcast_in_dim3A_115 : i32 to vector<16xi32>
        %gather3A_117 = tpu.vector_load_idx %arg10[%add3A_42, %broadcast_in_dim3A_116] : memref<64x128xf32, #tpu.memory_space<vmem>>[vector<16xi32>, vector<16xi32>], vector<16xf32>,
        %gather3A_118 = tpu.vector_load_idx %arg11[%add3A_42, %broadcast_in_dim3A_116] : memref<64x128xf32, #tpu.memory_space<vmem>>[vector<16xi32>, vector<16xi32>], vector<16xf32>,
        %mul3A_119 = arith.mulf %gather3A_117, %gather3A_118 : vector<16xf32>
        %add3A_120 = arith.addf %add3A_114, %mul3A_119 : vector<16xf32>
        %broadcast_in_dim3A_121 = arith.constant 13 : i32
        %broadcast_in_dim3A_122 = vector.broadcast %broadcast_in_dim3A_121 : i32 to vector<16xi32>
        %gather3A_123 = tpu.vector_load_idx %arg10[%add3A_42, %broadcast_in_dim3A_122] : memref<64x128xf32, #tpu.memory_space<vmem>>[vector<16xi32>, vector<16xi32>], vector<16xf32>,
        %gather3A_124 = tpu.vector_load_idx %arg11[%add3A_42, %broadcast_in_dim3A_122] : memref<64x128xf32, #tpu.memory_space<vmem>>[vector<16xi32>, vector<16xi32>], vector<16xf32>,
        %mul3A_125 = arith.mulf %gather3A_123, %gather3A_124 : vector<16xf32>
        %add3A_126 = arith.addf %add3A_120, %mul3A_125 : vector<16xf32>
        %broadcast_in_dim3A_127 = arith.constant 14 : i32
        %broadcast_in_dim3A_128 = vector.broadcast %broadcast_in_dim3A_127 : i32 to vector<16xi32>
        %gather3A_129 = tpu.vector_load_idx %arg10[%add3A_42, %broadcast_in_dim3A_128] : memref<64x128xf32, #tpu.memory_space<vmem>>[vector<16xi32>, vector<16xi32>], vector<16xf32>,
        %gather3A_130 = tpu.vector_load_idx %arg11[%add3A_42, %broadcast_in_dim3A_128] : memref<64x128xf32, #tpu.memory_space<vmem>>[vector<16xi32>, vector<16xi32>], vector<16xf32>,
        %mul3A_131 = arith.mulf %gather3A_129, %gather3A_130 : vector<16xf32>
        %add3A_132 = arith.addf %add3A_126, %mul3A_131 : vector<16xf32>
        %broadcast_in_dim3A_133 = arith.constant 15 : i32
        %broadcast_in_dim3A_134 = vector.broadcast %broadcast_in_dim3A_133 : i32 to vector<16xi32>
        %gather3A_135 = tpu.vector_load_idx %arg10[%add3A_42, %broadcast_in_dim3A_134] : memref<64x128xf32, #tpu.memory_space<vmem>>[vector<16xi32>, vector<16xi32>], vector<16xf32>,
        %gather3A_136 = tpu.vector_load_idx %arg11[%add3A_42, %broadcast_in_dim3A_134] : memref<64x128xf32, #tpu.memory_space<vmem>>[vector<16xi32>, vector<16xi32>], vector<16xf32>,
        %mul3A_137 = arith.mulf %gather3A_135, %gather3A_136 : vector<16xf32>
        %add3A_138 = arith.addf %add3A_132, %mul3A_137 : vector<16xf32>
        %broadcast_in_dim3A_139 = arith.constant 16 : i32
        %broadcast_in_dim3A_140 = vector.broadcast %broadcast_in_dim3A_139 : i32 to vector<16xi32>
        %gather3A_141 = tpu.vector_load_idx %arg10[%add3A_42, %broadcast_in_dim3A_140] : memref<64x128xf32, #tpu.memory_space<vmem>>[vector<16xi32>, vector<16xi32>], vector<16xf32>,
        %gather3A_142 = tpu.vector_load_idx %arg11[%add3A_42, %broadcast_in_dim3A_140] : memref<64x128xf32, #tpu.memory_space<vmem>>[vector<16xi32>, vector<16xi32>], vector<16xf32>,
        %mul3A_143 = arith.mulf %gather3A_141, %gather3A_142 : vector<16xf32>
        %add3A_144 = arith.addf %add3A_138, %mul3A_143 : vector<16xf32>
        %broadcast_in_dim3A_145 = arith.constant 17 : i32
        %broadcast_in_dim3A_146 = vector.broadcast %broadcast_in_dim3A_145 : i32 to vector<16xi32>
        %gather3A_147 = tpu.vector_load_idx %arg10[%add3A_42, %broadcast_in_dim3A_146] : memref<64x128xf32, #tpu.memory_space<vmem>>[vector<16xi32>, vector<16xi32>], vector<16xf32>,
        %gather3A_148 = tpu.vector_load_idx %arg11[%add3A_42, %broadcast_in_dim3A_146] : memref<64x128xf32, #tpu.memory_space<vmem>>[vector<16xi32>, vector<16xi32>], vector<16xf32>,
        %mul3A_149 = arith.mulf %gather3A_147, %gather3A_148 : vector<16xf32>
        %add3A_150 = arith.addf %add3A_144, %mul3A_149 : vector<16xf32>
        %broadcast_in_dim3A_151 = arith.constant 18 : i32
        %broadcast_in_dim3A_152 = vector.broadcast %broadcast_in_dim3A_151 : i32 to vector<16xi32>
        %gather3A_153 = tpu.vector_load_idx %arg10[%add3A_42, %broadcast_in_dim3A_152] : memref<64x128xf32, #tpu.memory_space<vmem>>[vector<16xi32>, vector<16xi32>], vector<16xf32>,
        %gather3A_154 = tpu.vector_load_idx %arg11[%add3A_42, %broadcast_in_dim3A_152] : memref<64x128xf32, #tpu.memory_space<vmem>>[vector<16xi32>, vector<16xi32>], vector<16xf32>,
        %mul3A_155 = arith.mulf %gather3A_153, %gather3A_154 : vector<16xf32>
        %add3A_156 = arith.addf %add3A_150, %mul3A_155 : vector<16xf32>
        %broadcast_in_dim3A_157 = arith.constant 19 : i32
        %broadcast_in_dim3A_158 = vector.broadcast %broadcast_in_dim3A_157 : i32 to vector<16xi32>
        %gather3A_159 = tpu.vector_load_idx %arg10[%add3A_42, %broadcast_in_dim3A_158] : memref<64x128xf32, #tpu.memory_space<vmem>>[vector<16xi32>, vector<16xi32>], vector<16xf32>,
        %gather3A_160 = tpu.vector_load_idx %arg11[%add3A_42, %broadcast_in_dim3A_158] : memref<64x128xf32, #tpu.memory_space<vmem>>[vector<16xi32>, vector<16xi32>], vector<16xf32>,
        %mul3A_161 = arith.mulf %gather3A_159, %gather3A_160 : vector<16xf32>
        %add3A_162 = arith.addf %add3A_156, %mul3A_161 : vector<16xf32>
        %broadcast_in_dim3A_163 = arith.constant 20 : i32
        %broadcast_in_dim3A_164 = vector.broadcast %broadcast_in_dim3A_163 : i32 to vector<16xi32>
        %gather3A_165 = tpu.vector_load_idx %arg10[%add3A_42, %broadcast_in_dim3A_164] : memref<64x128xf32, #tpu.memory_space<vmem>>[vector<16xi32>, vector<16xi32>], vector<16xf32>,
        %gather3A_166 = tpu.vector_load_idx %arg11[%add3A_42, %broadcast_in_dim3A_164] : memref<64x128xf32, #tpu.memory_space<vmem>>[vector<16xi32>, vector<16xi32>], vector<16xf32>,
        %mul3A_167 = arith.mulf %gather3A_165, %gather3A_166 : vector<16xf32>
        %add3A_168 = arith.addf %add3A_162, %mul3A_167 : vector<16xf32>
        %broadcast_in_dim3A_169 = arith.constant 21 : i32
        %broadcast_in_dim3A_170 = vector.broadcast %broadcast_in_dim3A_169 : i32 to vector<16xi32>
        %gather3A_171 = tpu.vector_load_idx %arg10[%add3A_42, %broadcast_in_dim3A_170] : memref<64x128xf32, #tpu.memory_space<vmem>>[vector<16xi32>, vector<16xi32>], vector<16xf32>,
        %gather3A_172 = tpu.vector_load_idx %arg11[%add3A_42, %broadcast_in_dim3A_170] : memref<64x128xf32, #tpu.memory_space<vmem>>[vector<16xi32>, vector<16xi32>], vector<16xf32>,
        %mul3A_173 = arith.mulf %gather3A_171, %gather3A_172 : vector<16xf32>
        %add3A_174 = arith.addf %add3A_168, %mul3A_173 : vector<16xf32>
        %broadcast_in_dim3A_175 = arith.constant 22 : i32
        %broadcast_in_dim3A_176 = vector.broadcast %broadcast_in_dim3A_175 : i32 to vector<16xi32>
        %gather3A_177 = tpu.vector_load_idx %arg10[%add3A_42, %broadcast_in_dim3A_176] : memref<64x128xf32, #tpu.memory_space<vmem>>[vector<16xi32>, vector<16xi32>], vector<16xf32>,
        %gather3A_178 = tpu.vector_load_idx %arg11[%add3A_42, %broadcast_in_dim3A_176] : memref<64x128xf32, #tpu.memory_space<vmem>>[vector<16xi32>, vector<16xi32>], vector<16xf32>,
        %mul3A_179 = arith.mulf %gather3A_177, %gather3A_178 : vector<16xf32>
        %add3A_180 = arith.addf %add3A_174, %mul3A_179 : vector<16xf32>
        %broadcast_in_dim3A_181 = arith.constant 23 : i32
        %broadcast_in_dim3A_182 = vector.broadcast %broadcast_in_dim3A_181 : i32 to vector<16xi32>
        %gather3A_183 = tpu.vector_load_idx %arg10[%add3A_42, %broadcast_in_dim3A_182] : memref<64x128xf32, #tpu.memory_space<vmem>>[vector<16xi32>, vector<16xi32>], vector<16xf32>,
        %gather3A_184 = tpu.vector_load_idx %arg11[%add3A_42, %broadcast_in_dim3A_182] : memref<64x128xf32, #tpu.memory_space<vmem>>[vector<16xi32>, vector<16xi32>], vector<16xf32>,
        %mul3A_185 = arith.mulf %gather3A_183, %gather3A_184 : vector<16xf32>
        %add3A_186 = arith.addf %add3A_180, %mul3A_185 : vector<16xf32>
        %broadcast_in_dim3A_187 = arith.constant 24 : i32
        %broadcast_in_dim3A_188 = vector.broadcast %broadcast_in_dim3A_187 : i32 to vector<16xi32>
        %gather3A_189 = tpu.vector_load_idx %arg10[%add3A_42, %broadcast_in_dim3A_188] : memref<64x128xf32, #tpu.memory_space<vmem>>[vector<16xi32>, vector<16xi32>], vector<16xf32>,
        %gather3A_190 = tpu.vector_load_idx %arg11[%add3A_42, %broadcast_in_dim3A_188] : memref<64x128xf32, #tpu.memory_space<vmem>>[vector<16xi32>, vector<16xi32>], vector<16xf32>,
        %mul3A_191 = arith.mulf %gather3A_189, %gather3A_190 : vector<16xf32>
        %add3A_192 = arith.addf %add3A_186, %mul3A_191 : vector<16xf32>
        %broadcast_in_dim3A_193 = arith.constant 25 : i32
        %broadcast_in_dim3A_194 = vector.broadcast %broadcast_in_dim3A_193 : i32 to vector<16xi32>
        %gather3A_195 = tpu.vector_load_idx %arg10[%add3A_42, %broadcast_in_dim3A_194] : memref<64x128xf32, #tpu.memory_space<vmem>>[vector<16xi32>, vector<16xi32>], vector<16xf32>,
        %gather3A_196 = tpu.vector_load_idx %arg11[%add3A_42, %broadcast_in_dim3A_194] : memref<64x128xf32, #tpu.memory_space<vmem>>[vector<16xi32>, vector<16xi32>], vector<16xf32>,
        %mul3A_197 = arith.mulf %gather3A_195, %gather3A_196 : vector<16xf32>
        %add3A_198 = arith.addf %add3A_192, %mul3A_197 : vector<16xf32>
        %broadcast_in_dim3A_199 = arith.constant 26 : i32
        %broadcast_in_dim3A_200 = vector.broadcast %broadcast_in_dim3A_199 : i32 to vector<16xi32>
        %gather3A_201 = tpu.vector_load_idx %arg10[%add3A_42, %broadcast_in_dim3A_200] : memref<64x128xf32, #tpu.memory_space<vmem>>[vector<16xi32>, vector<16xi32>], vector<16xf32>,
        %gather3A_202 = tpu.vector_load_idx %arg11[%add3A_42, %broadcast_in_dim3A_200] : memref<64x128xf32, #tpu.memory_space<vmem>>[vector<16xi32>, vector<16xi32>], vector<16xf32>,
        %mul3A_203 = arith.mulf %gather3A_201, %gather3A_202 : vector<16xf32>
        %add3A_204 = arith.addf %add3A_198, %mul3A_203 : vector<16xf32>
        %broadcast_in_dim3A_205 = arith.constant 27 : i32
        %broadcast_in_dim3A_206 = vector.broadcast %broadcast_in_dim3A_205 : i32 to vector<16xi32>
        %gather3A_207 = tpu.vector_load_idx %arg10[%add3A_42, %broadcast_in_dim3A_206] : memref<64x128xf32, #tpu.memory_space<vmem>>[vector<16xi32>, vector<16xi32>], vector<16xf32>,
        %gather3A_208 = tpu.vector_load_idx %arg11[%add3A_42, %broadcast_in_dim3A_206] : memref<64x128xf32, #tpu.memory_space<vmem>>[vector<16xi32>, vector<16xi32>], vector<16xf32>,
        %mul3A_209 = arith.mulf %gather3A_207, %gather3A_208 : vector<16xf32>
        %add3A_210 = arith.addf %add3A_204, %mul3A_209 : vector<16xf32>
        %broadcast_in_dim3A_211 = arith.constant 28 : i32
        %broadcast_in_dim3A_212 = vector.broadcast %broadcast_in_dim3A_211 : i32 to vector<16xi32>
        %gather3A_213 = tpu.vector_load_idx %arg10[%add3A_42, %broadcast_in_dim3A_212] : memref<64x128xf32, #tpu.memory_space<vmem>>[vector<16xi32>, vector<16xi32>], vector<16xf32>,
        %gather3A_214 = tpu.vector_load_idx %arg11[%add3A_42, %broadcast_in_dim3A_212] : memref<64x128xf32, #tpu.memory_space<vmem>>[vector<16xi32>, vector<16xi32>], vector<16xf32>,
        %mul3A_215 = arith.mulf %gather3A_213, %gather3A_214 : vector<16xf32>
        %add3A_216 = arith.addf %add3A_210, %mul3A_215 : vector<16xf32>
        %broadcast_in_dim3A_217 = arith.constant 29 : i32
        %broadcast_in_dim3A_218 = vector.broadcast %broadcast_in_dim3A_217 : i32 to vector<16xi32>
        %gather3A_219 = tpu.vector_load_idx %arg10[%add3A_42, %broadcast_in_dim3A_218] : memref<64x128xf32, #tpu.memory_space<vmem>>[vector<16xi32>, vector<16xi32>], vector<16xf32>,
        %gather3A_220 = tpu.vector_load_idx %arg11[%add3A_42, %broadcast_in_dim3A_218] : memref<64x128xf32, #tpu.memory_space<vmem>>[vector<16xi32>, vector<16xi32>], vector<16xf32>,
        %mul3A_221 = arith.mulf %gather3A_219, %gather3A_220 : vector<16xf32>
        %add3A_222 = arith.addf %add3A_216, %mul3A_221 : vector<16xf32>
        %broadcast_in_dim3A_223 = arith.constant 30 : i32
        %broadcast_in_dim3A_224 = vector.broadcast %broadcast_in_dim3A_223 : i32 to vector<16xi32>
        %gather3A_225 = tpu.vector_load_idx %arg10[%add3A_42, %broadcast_in_dim3A_224] : memref<64x128xf32, #tpu.memory_space<vmem>>[vector<16xi32>, vector<16xi32>], vector<16xf32>,
        %gather3A_226 = tpu.vector_load_idx %arg11[%add3A_42, %broadcast_in_dim3A_224] : memref<64x128xf32, #tpu.memory_space<vmem>>[vector<16xi32>, vector<16xi32>], vector<16xf32>,
        %mul3A_227 = arith.mulf %gather3A_225, %gather3A_226 : vector<16xf32>
        %add3A_228 = arith.addf %add3A_222, %mul3A_227 : vector<16xf32>
        %broadcast_in_dim3A_229 = arith.constant 31 : i32
        %broadcast_in_dim3A_230 = vector.broadcast %broadcast_in_dim3A_229 : i32 to vector<16xi32>
        %gather3A_231 = tpu.vector_load_idx %arg10[%add3A_42, %broadcast_in_dim3A_230] : memref<64x128xf32, #tpu.memory_space<vmem>>[vector<16xi32>, vector<16xi32>], vector<16xf32>,
        %gather3A_232 = tpu.vector_load_idx %arg11[%add3A_42, %broadcast_in_dim3A_230] : memref<64x128xf32, #tpu.memory_space<vmem>>[vector<16xi32>, vector<16xi32>], vector<16xf32>,
        %mul3A_233 = arith.mulf %gather3A_231, %gather3A_232 : vector<16xf32>
        %add3A_234 = arith.addf %add3A_228, %mul3A_233 : vector<16xf32>
        %add3A_235 = arith.addf %add3A_234, %get3A_1 : vector<16xf32>
        %neg3A = arith.constant 0.000000e+00 : f32
        %neg3A_236 = vector.broadcast %neg3A : f32 to vector<16xf32>
        %neg3A_237 = arith.subf %neg3A_236, %add3A_235 : vector<16xf32>
        %exp3A = math.exp %neg3A_237 : vector<16xf32>
        %add3A_238 = arith.constant 1.000000e+00 : f32
        %add3A_239 = vector.broadcast %add3A_238 : f32 to vector<16xf32>
        %add3A_240 = arith.addf %add3A_239, %exp3A : vector<16xf32>
        %div3A = arith.constant 1.000000e+00 : f32
        %div3A_241 = vector.broadcast %div3A : f32 to vector<16xf32>
        %div3A_242 = arith.divf %div3A_241, %add3A_240 : vector<16xf32>
        %mul3A_243 = arith.constant 16 : i32
        %mul3A_244 = arith.muli %scan3A_37, %mul3A_243 : i32
        %add3A_245 = arith.addi %mul3A_11, %mul3A_244 : i32
        %swap3A = arith.index_cast %add3A_245 : i32 to index
        %swap3A_246 = tpu.vector_load %arg15[%swap3A] {strides = array<i32>} : memref<512xf32, #tpu.memory_space<vmem>>, vector<16xf32>,
        tpu.vector_store %arg15[%swap3A], %div3A_242 {strides = array<i32>} : memref<512xf32, #tpu.memory_space<vmem>>, vector<16xf32>,
        %scan3A_247 = arith.constant 0 : i32
        scf.yield %scan3A_247 : i32
      }
      %scan3A_35 = arith.constant 4 : i32
      %scan3A_36 = arith.constant 0 : i32
      scf.yield %scan3A_36 : i32
    }
    %scan3A_7 = arith.constant 8 : i32
    "tpu.region"() ({
      %run_scoped3A = tpu.sem_alloc : memref<!tpu.dma_semaphore, #tpu.memory_space<semaphore_mem>>
      %dma_start3A = arith.constant 0 : i32
      %dma_start3A_8 = tpu.memref_slice %arg7[%add3A, %dma_start3A] : memref<32x512xf32, #tpu.memory_space<hbm>> -> memref<1x512xf32, #tpu.memory_space<hbm>>
      %dma_start3A_9 = tpu.memref_squeeze %dma_start3A_8 : memref<1x512xf32, #tpu.memory_space<hbm>> -> memref<512xf32, #tpu.memory_space<hbm>>
      %dma_start3A_10 = arith.constant 0 : i32
      %dma_start3A_11 = tpu.memref_slice %arg7[%add3A, %dma_start3A_10] : memref<32x512xf32, #tpu.memory_space<hbm>> -> memref<1x512xf32, #tpu.memory_space<hbm>>
      %dma_start3A_12 = tpu.memref_squeeze %dma_start3A_11 : memref<1x512xf32, #tpu.memory_space<hbm>> -> memref<512xf32, #tpu.memory_space<hbm>>
      tpu.enqueue_dma source(%arg15 : memref<512xf32, #tpu.memory_space<vmem>>) target(%dma_start3A_12 : memref<512xf32, #tpu.memory_space<hbm>>) target_semaphore(%run_scoped3A : memref<!tpu.dma_semaphore, #tpu.memory_space<semaphore_mem>>)
      %dma_wait3A = arith.constant 0 : i32
      %dma_wait3A_13 = tpu.memref_slice %arg7[%add3A, %dma_wait3A] : memref<32x512xf32, #tpu.memory_space<hbm>> -> memref<1x512xf32, #tpu.memory_space<hbm>>
      %dma_wait3A_14 = tpu.memref_squeeze %dma_wait3A_13 : memref<1x512xf32, #tpu.memory_space<hbm>> -> memref<512xf32, #tpu.memory_space<hbm>>
      %dma_wait3A_15 = arith.constant 0 : i32
      %dma_wait3A_16 = tpu.memref_slice %arg7[%add3A, %dma_wait3A_15] : memref<32x512xf32, #tpu.memory_space<hbm>> -> memref<1x512xf32, #tpu.memory_space<hbm>>
      %dma_wait3A_17 = tpu.memref_squeeze %dma_wait3A_16 : memref<1x512xf32, #tpu.memory_space<hbm>> -> memref<512xf32, #tpu.memory_space<hbm>>
      tpu.wait_dma2 semaphore(%run_scoped3A : memref<!tpu.dma_semaphore, #tpu.memory_space<semaphore_mem>>) src(%arg15 : memref<512xf32, #tpu.memory_space<vmem>>) dst(%dma_wait3A_17 : memref<512xf32, #tpu.memory_space<hbm>>)
      tpu.yield
    }) : () -> ()
    return
  }
}

</mosaic_0001>

<sc_bundles>
// kernel: _call.3.cloned.1.call-start
scs
__scs_entry_jumppad:
0x0: {  	(pc) =	sbr.rel $0x88, $3  }
0x1: {  	(tag) =	ssettag $0x0;
	lr =	simm.s32 $0x1  }
0x2: {  	[smem:$0x3F9C] =	sst lr;
	_ =	strace $0xD0000000  }
0x3: {  	_ = 	snop  }
0x4: {  	_ = 	snop  }
0x5: {  	_ = 	snop  }
0x6: {  	_ = 	snop  }
0x7: {  	_ = 	snop  }
__scs_overlays_trampoline_lowered:
0x8: {  	[smem:$0x3FAB] =	sst s0  }
0x9: {  	[smem:$0x3FAC] =	sst s1  }
0xa: {  	[smem:$0x3FAD] =	sst s2  }
0xb: {  	[smem:$0x3FAE] =	sst s3  }
0xc: {  	[smem:$0x3FAF] =	sst s4  }
0xd: {  	[smem:$0x3FB0] =	sst s5  }
0xe: {  	[smem:$0x3FB1] =	sst s6  }
0xf: {  	[smem:$0x3FB2] =	sst s7  }
0x10: {  	[smem:$0x3FB3] =	sst s8  }
0x11: {  	[smem:$0x3FB4] =	sst s9;
	s0 =	simm.s32 @!p0 $0x0  }
0x12: {  	s1 =	sld [smem:$0x3F9A];
	s0 =	simm.s32 @p0 $0x1  }
0x13: {  	[smem:$0x3FB5] =	sst s0;
	s0 =	simm.s32 @!p1 $0x0  }
0x14: {  	s2 =	sld [smem:$0x3F99];
	s0 =	simm.s32 @p1 $0x1  }
0x15: {  	[smem:$0x3FB6] =	sst s0;
	s0 =	simm.s32 @!p2 $0x0  }
0x16: {  	s3 =	sld [smem:$0x3FDB];
	s0 =	simm.s32 @p2 $0x1  }
0x17: {  	s4 =	simm.s32 $0x1BF5;
	[smem:$0x3FB8] =	sst s0  }
0x18: {  	s0 =	sld [smem:$0x3F9B];
	_ =	swait.ge [sflag:s4], $0x0  }
0x19: {  	s7 =	sld [smem:$0x3F9C]  }
0x1a: {  	s8 =	sadd.s32 $0xFFFFE003, lr  }
0x1b: {  	s9 =	sadd.s32 $0xFFFFFEF7, lr;
	s5 =	simm.s32 $0xFFFFFFFF;
	p2 =	slt.u32 s8, $0xFFFFF086  }
0x1c: {  	p1 =	slt.u32 s9, $0xF7A;
	s5 =	simm.s32 @!p2 $0x0  }
0x1d: {  	s5 =	simm.s32 @p1 $0x1;
	p0 =	seq.s32 s7, s2  }
0x1e: {  	s7 =	smul.u32 @!p0 $0xF7A, s2;
	p2 =	seq.s32 @!p0 s5, $0x0  }
0x1f: {  	s9 =	smul.u32 $0xF7A, s1;
	s8 =	simm.s32 @!p0 $0x1BF5;
	p2 =	por !p2, p0  }
0x20: {  	[sflag:s8] =	ssyncset.s32 @!p0 $0xFFFFF086;
	s6 =	sadd.s32 @!p0 s3, s7;
	s7 =	simm.s32 @!p0 $0x108  }
0x21: {  	s3 =	sadd.s32 s3, s9;
	s6 =	sadd.s32 @!p0 $0x88, s6;
	s7 =	simm.s32 @p2 $0x1082  }
0x22: {  	[simem:s7], [sflag:s8] =	dma.local @!p0 [hbm:s6], $0xF7A  }
0x23: {  	s9 =	sor.u32 $0xD0000000, s2;
	s6 =	simm.s32 $0x108;
	_ =	swait.ge @!p0 [sflag:s8], $0x0  }
0x24: {  	s3 =	sadd.s32 $0x88, s3;
	s6 =	simm.s32 @!p1 $0x1082;
	[sflag:s4] =	ssyncset.s32 $0xFFFFF086  }
0x25: {  	[simem:s6], [sflag:s4] =	dma.local [hbm:s3], $0xF7A  }
0x26: {  	[smem:$0x3F9C] =	sst s1;
	(tag) =	ssettag s2;
	_ =	strace s9  }
0x27: {  	s1 =	sld [smem:$0x3FAC]  }
0x28: {  	s2 =	sld [smem:$0x3FAD]  }
0x29: {  	s4 =	sld [smem:$0x3FAF]  }
0x2a: {  	p0 =	seq.s32 s5, $0x0;
	s5 =	sld [smem:$0x3FB0]  }
0x2b: {  	s6 =	sld [smem:$0x3FB1]  }
0x2c: {  	s7 =	sld [smem:$0x3FB2]  }
0x2d: {  	s3 =	simm.s32 $0x108;
	s8 =	sld [smem:$0x3FB3]  }
0x2e: {  	s3 =	simm.s32 @!p0 $0x1082;
	s9 =	sld [smem:$0x3FB4]  }
0x2f: {  	lr =	sadd.s32 s0, s3;
	s0 =	sld [smem:$0x3FAB]  }
0x30: {  	s3 =	sld [smem:$0x3FAE]  }
0x31: {  	[smem:$0x3FB7] =	sst s10  }
0x32: {  	s10 =	sld [smem:$0x3FB5];
	_ =	sdelay $0x3  }
0x33: {  	p0 =	seq.s32 s10, $0x1;
	s10 =	sld [smem:$0x3FB7];
	_ =	sdelay $0x3  }
0x34: {  	[smem:$0x3FB7] =	sst s10  }
0x35: {  	s10 =	sld [smem:$0x3FB6];
	_ =	sdelay $0x3  }
0x36: {  	p1 =	seq.s32 s10, $0x1;
	s10 =	sld [smem:$0x3FB7];
	_ =	sdelay $0x3  }
0x37: {  	[smem:$0x3FB7] =	sst s10  }
0x38: {  	s10 =	sld [smem:$0x3FB8]  }
0x39: {  	_ = 	snop;
	(pc) =	sbr.ind lr, $3  }
0x3a: {  	_ = 	snop  }
0x3b: {  	_ = 	snop  }
0x3c: {  	p2 =	seq.s32 s10, $0x1;
	s10 =	sld [smem:$0x3FB7]  }
0x3d: {  	_ =	shalt  }
0x3e: {  	_ =	shalt  }
0x3f: {  	_ =	shalt  }
0x40: {  	_ =	shalt  }
0x41: {  	_ =	shalt  }
0x42: {  	_ =	shalt  }
0x43: {  	_ =	shalt  }
0x44: {  	_ =	shalt  }
0x45: {  	_ =	shalt  }
0x46: {  	_ =	shalt  }
0x47: {  	_ =	shalt  }
0x48: {  	_ =	shalt  }
0x49: {  	_ =	shalt  }
0x4a: {  	_ =	shalt  }
0x4b: {  	_ =	shalt  }
0x4c: {  	_ =	shalt  }
0x4d: {  	_ =	shalt  }
0x4e: {  	_ =	shalt  }
0x4f: {  	_ =	shalt  }
0x50: {  	_ =	shalt  }
0x51: {  	_ =	shalt  }
0x52: {  	_ =	shalt  }
0x53: {  	_ =	shalt  }
0x54: {  	_ =	shalt  }
0x55: {  	_ =	shalt  }
0x56: {  	_ =	shalt  }
0x57: {  	_ =	shalt  }
0x58: {  	_ =	shalt  }
0x59: {  	_ =	shalt  }
0x5a: {  	_ =	shalt  }
0x5b: {  	_ =	shalt  }
0x5c: {  	_ =	shalt  }
0x5d: {  	_ =	shalt  }
0x5e: {  	_ =	shalt  }
0x5f: {  	_ =	shalt  }
0x60: {  	_ =	shalt  }
0x61: {  	_ =	shalt  }
0x62: {  	_ =	shalt  }
0x63: {  	_ =	shalt  }
0x64: {  	_ =	shalt  }
0x65: {  	_ =	shalt  }
0x66: {  	_ =	shalt  }
0x67: {  	_ =	shalt  }
0x68: {  	_ =	shalt  }
0x69: {  	_ =	shalt  }
0x6a: {  	_ =	shalt  }
0x6b: {  	_ =	shalt  }
0x6c: {  	_ =	shalt  }
0x6d: {  	_ =	shalt  }
0x6e: {  	_ =	shalt  }
0x6f: {  	_ =	shalt  }
0x70: {  	_ =	shalt  }
0x71: {  	_ =	shalt  }
0x72: {  	_ =	shalt  }
0x73: {  	_ =	shalt  }
0x74: {  	_ =	shalt  }
0x75: {  	_ =	shalt  }
0x76: {  	_ =	shalt  }
0x77: {  	_ =	shalt  }
0x78: {  	_ =	shalt  }
0x79: {  	_ =	shalt  }
0x7a: {  	_ =	shalt  }
0x7b: {  	_ =	shalt  }
0x7c: {  	_ =	shalt  }
0x7d: {  	_ =	shalt  }
0x7e: {  	_ =	shalt  }
0x7f: {  	_ =	shalt  }
0x80: {  	_ =	shalt  }
0x81: {  	_ =	shalt  }
0x82: {  	_ =	shalt  }
0x83: {  	_ =	shalt  }
0x84: {  	_ =	shalt  }
0x85: {  	_ =	shalt  }
0x86: {  	_ =	shalt  }
0x87: {  	_ =	shalt  }
.Lfunc_end0:
.L_simem_size_0:
called_computation_lowered:
.L_overlay_start_0:
0x88: {  	s2 =	sld [smem:$0x3FD9]  }
0x89: {  	s3 =	sld [smem:$0x3FFE];
	_ =	sdelay $0x1  }
0x8a: {  	s1 =	srdreg.scid  }
0x8b: {  	s0 =	sand.u32 $0x1, s1  }
0x8c: {  	s18 =	sshll.u32 s0, $0xA;
	s2 =	sadd.s32 s3, s2  }
0x8d: {  	s2 =	sadd.s32 s2, s18  }
0x8e: {  	[smem:$0x3FC3] =	sst s2  }
0x8f: {  	_ = 	snop  }
0x90: {  	s2 =	sld [smem:$0x3FC9]  }
0x91: {  	s19 =	sld [smem:$0x3FC8]  }
0x92: {  	s4 =	sld [smem:$0x3FC7]  }
0x93: {  	s5 =	sld [smem:$0x3FC6]  }
0x94: {  	s6 =	sld [smem:$0x3FC5]  }
0x95: {  	s7 =	sld [smem:$0x3FD0];
	(tm) =	ssettm $0x1  }
0x96: {  	s8 =	sld [smem:$0x3FFB];
	_ =	sdelay $0x3  }
0x97: {  	_ =	strace s8  }
0x98: {  	s8 =	sld [smem:$0x3FFC];
	_ =	sdelay $0x3  }
0x99: {  	_ =	strace s8  }
0x9a: {  	s8 =	sld [smem:$0x3FFD];
	_ =	sdelay $0x3  }
0x9b: {  	_ =	strace s8  }
0x9c: {  	_ =	strace $0x8FFFFFFF  }
0x9d: {  	s20 =	sld [smem:$0x3FDB];
	_ =	sdelay $0x1  }
0x9e: {  	s9 =	simm.s32 $_scs_section_size  }
0x9f: {  	s10 =	simm.s32 $_size__tile_overlayer_lowered;
	s11 =	simm.s32 $_tile_overlayer_lowered  }
0xa0: {  	s23 =	simm.s32 $0x1BFF;
	s22 =	sshll.u32 s11, $0x1;
	s8 =	sadd.s32 s9, s20  }
0xa1: {  	s12 =	simm.s32 $0x0;
	s21 =	sshll.u32 s10, $0x1;
	s10 =	sadd.s32 s22, s8  }
0xa2: {  	[timem:s12], [sflag:s23] =	dma.local [hbm:s10], s21  }
0xa3: {  	_ =	swait.ge [sflag:s23], s21  }
0xa4: {  	s9 =	ssub.s32 $0x0, s21;
	[sflag:s23] =	ssyncset.done $0x0  }
0xa5: {  	[sflag:s23] =	ssyncadd.s32 s9;
	_ =	sdelay $0x1  }
0xa6: {  	s24 =	simm.s32 $0x1B8B  }
0xa7: {  	_ =	swait.ge [sflag:s24], $0x1  }
0xa8: {  	[sflag:s24] =	ssyncset.done $0x0  }
0xa9: {  	s25 =	simm.s32 $0x1B8E;
	[sflag:s24] =	ssyncadd.s32 $0xFFFFFFFF  }
0xaa: {  	s26 =	simm.s32 $execute0_lowered;
	[smem:$0x3FD2] =	sst s25  }
0xab: {  	s9 =	sshll.u32 s26, $0x1;
	_ =	strace $0x80000046;
	[dreg:$0x1] =	wrdreg $0xFFFFFFFF  }
0xac: {  	s28 =	simm.s32 $_size_execute0_lowered;
	s8 =	sadd.s32 s8, s9;
	[dreg:$0x0] =	wrdreg $0x0  }
0xad: {  	s9 =	sshll.u32 s28, $0x1;
	[dreg:$0x2] =	wrdreg s8  }
0xae: {  	[dreg:$0x3] =	wrdreg s9  }
0xaf: {  	[dreg:$0x4] =	wrdreg $0xC0  }
0xb0: {  	_ =	task [dreg:s12], $0x5FFFF  }
0xb1: {  	[dreg:$0x1] =	wrdreg $0xFFFFFFFF  }
0xb2: {  	[dreg:$0x0] =	wrdreg $0x60  }
0xb3: {  	[dreg:$0x2] =	wrdreg s2  }
0xb4: {  	[dreg:$0x3] =	wrdreg s19  }
0xb5: {  	[dreg:$0x4] =	wrdreg s4  }
0xb6: {  	[dreg:$0x5] =	wrdreg s5  }
0xb7: {  	[dreg:$0x6] =	wrdreg s6  }
0xb8: {  	[dreg:$0x7] =	wrdreg s7  }
0xb9: {  	[dreg:$0x8] =	wrdreg $0x9  }
0xba: {  	_ =	task.clear_ibuf [dreg:s12], $0x9FFFF;
	_ =	strace $0x90000046  }
0xbb: {  	s29 =	simm.s32 $0x9;
	_ =	strace $0x80000048  }
0xbc: {  	_ =	swait.ge [sflag:s29], $0x1  }
0xbd: {  	[sflag:s29] =	ssyncadd.s32 $0xFFFFFFFF  }
0xbe: {  	_ =	strace $0x90000048  }
0xbf: {  	_ =	sfence  }
0xc0: {  	s30 =	sld [smem:$0x0];
	_ =	sdelay $0x2  }
0xc1: {  	s31 =	sshll.u32 s1, $0xD;
	s1 =	sshrl.u32 s1, $0x2  }
0xc2: {  	s3 =	sand.u32 $0x4000, s31;
	s1 =	sadd.s32 s1, s30  }
0xc3: {  	s0 =	sor.u32 s3, s0;
	s1 =	sshll.u32 s1, $0x11  }
0xc4: {  	s0 =	sor.u32 s1, s0  }
0xc5: {  	s0 =	sadd.s32 $0x8F2B, s0  }
0xc6: {  	[sflag:s0] =	ssyncadd.remote.s32 $0x1  }
0xc7: {  	_ =	sfence.sel $0xFFFF  }
0xc8: {  	[dreg:$0x0] =	wrdreg $0xFFFFFFFF;
	(pc) =	sbr.abs _section_cstart, $3  }
0xc9: {  	[dreg:$0x1] =	wrdreg $0xFFFFFFFF  }
0xca: {  	_ =	task.clear_ibuf [dreg:s12], $0x2FFFF;
	_ =	strace $0x9FFFFFFF  }
0xcb: {  	(tm) =	ssettm $0x7FFFFFFF  }
tec
execute0_lowered:
.L_overlay_start_1:
0x0: {  	(tag) =	ssettag $0x1  }
0x1: {  	s6 =	rddreg [dreg:$0x0]  }
0x2: {  	s7 =	rddreg [dreg:$0x1]  }
0x3: {  	s1 =	rddreg [dreg:$0x2]  }
0x4: {  	s2 =	rddreg [dreg:$0x3]  }
0x5: {  	s3 =	rddreg [dreg:$0x4]  }
0x6: {  	s8 =	rddreg [dreg:$0x5];
	s4 =	srdreg.scid  }
0x7: {  	s0 =	rddreg [dreg:$0x6];
	s5 =	simm.s32 $0x0;
	s13 =	simm.s32 $0x40  }
0x8: {  	s14 =	simm.s32 $0x4400;
	s15 =	simm.s32 $0x400;
	s16 =	simm.s32 $0x4440  }
0x9: {  	s17 =	simm.s32 $0x2400;
	s18 =	simm.s32 $0x1;
	s19 =	simm.s32 $0x4490  }
0xa: {  	s20 =	simm.s32 $0x0;
	s9 =	sand.u32 $0x1, s4;
	s4 =	stileid.u32  }
0xb: {  	[smem:$0x7FF] =	sst s5;
	s10 =	ssub.s32 $0x2, s9;
	s12 =	sshll.u32 s4, $0x7  }
0xc: {  	s9 =	sshll.u32 s9, $0x6;
	_ =	strace $0x80000047;
	s11 =	sshrl.u32 s10, $0x1  }
0xd: {  	s9 =	sor.u32 s9, s12;
	s12 =	simm.s32 $0x4480;
	s10 =	ssub.s32 s10, s11  }
0xe: {  	v0 =	vlaneseq.u32;
	s6 =	sadd.s32 s6, s9;
	s7 =	sadd.s32 s7, s9;
	s8 =	sadd.s32 s8, s9  }
0xf: {  	v0 =	vmul.u32 $0x80, v0;
	s11 =	simm.s32 $0x200;
	s9 =	smax.u32 s10, $0x1;
	s10 =	simm.s32 $0x2  }
.LBB2_1:
0x10: {  	[tilespmem:s5], [sflag:$0x2] =	stream.linear.gather [hbm4b:s6+s5], $0x200, $0x38;
	[tilespmem:$0x4690] =	vst v63  }
0x11: {  	_ =	swait.ge [sflag:s10], $0x200  }
0x12: {  	[sflag:s10] =	ssyncset.done $0x0  }
0x13: {  	[sflag:s10] =	ssyncadd.s32 $0xFFFFFE00  }
0x14: {  	[tilespmem:s11], [sflag:$0x2] =	stream.linear.gather [hbm4b:s7+s5], $0x200, $0x38;
	[tilespmem:$0x4690] =	vst v63  }
0x15: {  	_ =	swait.ge [sflag:s10], $0x200  }
0x16: {  	[sflag:s10] =	ssyncset.done $0x0  }
0x17: {  	[sflag:s10] =	ssyncadd.s32 $0xFFFFFE00  }
0x18: {  	[tilespmem:s12], [sflag:$0x2] =	stream.linear.gather [hbm4b:s3+s5], $0x10, $0x38;
	[tilespmem:$0x4690] =	vst v63  }
0x19: {  	_ =	swait.ge [sflag:s10], $0x10  }
0x1a: {  	[sflag:s10] =	ssyncset.done $0x0  }
0x1b: {  	[sflag:s10] =	ssyncadd.s32 $0xFFFFFFF0  }
0x1c: {  	s21 =	simm.s32 $0x4490;
	s22 =	simm.s32 $0x0;
	v1 =	vld [tilespmem:$0x4480]  }
.LBB2_2:
0x1d: {  	s23 =	sshll.u32 s22, $0x6  }
0x1e: {  	v2 =	vld [tilespmem:s23+$0x0];
	_ =	sdelay $0x4  }
0x1f: {  	[tilespmem:$0x4400] =	vst v2  }
0x20: {  	v2 =	vld [tilespmem:s23+$0x200];
	_ =	sdelay $0x4  }
0x21: {  	[tilespmem:$0x4440] =	vst v2  }
0x22: {  	v2 =	vld [tilespmem:s23+$0x10];
	_ =	sdelay $0x4  }
0x23: {  	[tilespmem:$0x4410] =	vst v2  }
0x24: {  	v2 =	vld [tilespmem:s23+$0x210];
	_ =	sdelay $0x4  }
0x25: {  	[tilespmem:$0x4450] =	vst v2  }
0x26: {  	v2 =	vld [tilespmem:s23+$0x20];
	_ =	sdelay $0x4  }
0x27: {  	[tilespmem:$0x4420] =	vst v2  }
0x28: {  	v2 =	vld [tilespmem:s23+$0x220];
	_ =	sdelay $0x4  }
0x29: {  	[tilespmem:$0x4460] =	vst v2  }
0x2a: {  	v2 =	vld [tilespmem:s23+$0x30];
	_ =	sdelay $0x4  }
0x2b: {  	[tilespmem:$0x4430] =	vst v2  }
0x2c: {  	v2 =	vld [tilespmem:s23+$0x230];
	_ =	sdelay $0x4  }
0x2d: {  	[tilespmem:$0x4470] =	vst v2  }
0x2e: {  	[tilespmem:s15], [sflag:$0x1] =	stream.indirect.gather [hbm4b:s1+s13], $0x80, s14, s13, $0xb8;
	[tilespmem:$0x4690] =	vst v63  }
0x2f: {  	s30 =	simm.s32 $0x0  }
0x30: {  	v2 =	vmov s30;
	[tilespmem:s17], [sflag:$0x1] =	stream.indirect.gather [hbm4b:s2+s13], $0x80, s16, s13, $0xb8;
	[tilespmem:$0x4690] =	vst v63  }
0x31: {  	v2 =	vshll.u32 v2, $0x7;
	_ =	swait.ge [sflag:s18], $0x2000  }
0x32: {  	v2 =	vor.u32 v0, v2;
	[sflag:s18] =	ssyncset.done $0x0  }
0x33: {  	[sflag:s18] =	ssyncadd.s32 $0xFFFFE000  }
0x34: {  	v3 =	vor.u32 $0x1, v2;
	_ =	swait.ge [sflag:s18], $0x2000  }
0x35: {  	[sflag:s18] =	ssyncset.done $0x0  }
0x36: {  	v4 =	vor.u32 $0x2, v2;
	[sflag:s18] =	ssyncadd.s32 $0xFFFFE000  }
0x37: {  	v5 =	vld.idx.msk [tilespmem:v2+s15+$0x0], $0xffff  }
0x38: {  	v6 =	vor.u32 $0x3, v2;
	v7 =	vld.idx.msk [tilespmem:v2+s17+$0x0], $0xffff  }
0x39: {  	v8 =	vld.idx.msk [tilespmem:v3+s17+$0x0], $0xffff  }
0x3a: {  	v9 =	vor.u32 $0x4, v2;
	v3 =	vld.idx.msk [tilespmem:v3+s15+$0x0], $0xffff  }
0x3b: {  	v10 =	vld.idx.msk [tilespmem:v4+s17+$0x0], $0xffff  }
0x3c: {  	v11 =	vor.u32 $0x5, v2;
	v4 =	vld.idx.msk [tilespmem:v4+s15+$0x0], $0xffff  }
0x3d: {  	v12 =	vld.idx.msk [tilespmem:v6+s17+$0x0], $0xffff;
	v5 =	vmul.f32 v7, v5  }
0x3e: {  	v6 =	vld.idx.msk [tilespmem:v6+s15+$0x0], $0xffff;
	v7 =	vor.u32 $0x6, v2  }
0x3f: {  	v13 =	vld.idx.msk [tilespmem:v9+s17+$0x0], $0xffff;
	v3 =	vmul.f32 v8, v3;
	v5 =	vadd.f32 $0.0e+00, v5  }
0x40: {  	v44 =	vor.u32 $0x7, v2;
	v9 =	vld.idx.msk [tilespmem:v9+s15+$0x0], $0xffff  }
0x41: {  	v14 =	vld.idx.msk [tilespmem:v11+s17+$0x0], $0xffff;
	v4 =	vmul.f32 v10, v4;
	v3 =	vadd.f32 v3, v5  }
0x42: {  	v45 =	vld.idx.msk [tilespmem:v11+s15+$0x0], $0xffff;
	v5 =	vor.u32 $0x8, v2  }
0x43: {  	v6 =	vmul.f32 v12, v6;
	v46 =	vld.idx.msk [tilespmem:v7+s17+$0x0], $0xffff;
	v3 =	vadd.f32 v4, v3  }
0x44: {  	v7 =	vld.idx.msk [tilespmem:v7+s15+$0x0], $0xffff;
	v4 =	vor.u32 $0x9, v2  }
0x45: {  	v12 =	vld.idx.msk [tilespmem:v44+s17+$0x0], $0xffff;
	v9 =	vmul.f32 v13, v9;
	v3 =	vadd.f32 v6, v3  }
0x46: {  	v8 =	vld.idx.msk [tilespmem:v44+s15+$0x0], $0xffff;
	v6 =	vor.u32 $0xA, v2  }
0x47: {  	v10 =	vmul.f32 v14, v45;
	v13 =	vld.idx.msk [tilespmem:v5+s17+$0x0], $0xffff;
	v3 =	vadd.f32 v9, v3  }
0x48: {  	v47 =	vor.u32 $0xB, v2;
	v5 =	vld.idx.msk [tilespmem:v5+s15+$0x0], $0xffff  }
0x49: {  	v7 =	vmul.f32 v46, v7;
	v14 =	vld.idx.msk [tilespmem:v4+s17+$0x0], $0xffff;
	v3 =	vadd.f32 v10, v3  }
0x4a: {  	v48 =	vor.u32 $0xC, v2;
	v4 =	vld.idx.msk [tilespmem:v4+s15+$0x0], $0xffff  }
0x4b: {  	v8 =	vmul.f32 v12, v8;
	v49 =	vld.idx.msk [tilespmem:v6+s17+$0x0], $0xffff;
	v3 =	vadd.f32 v7, v3  }
0x4c: {  	v6 =	vld.idx.msk [tilespmem:v6+s15+$0x0], $0xffff;
	v7 =	vor.u32 $0xD, v2  }
0x4d: {  	v12 =	vld.idx.msk [tilespmem:v47+s17+$0x0], $0xffff;
	v5 =	vmul.f32 v13, v5;
	v3 =	vadd.f32 v8, v3  }
0x4e: {  	v50 =	vor.u32 $0xE, v2;
	v9 =	vld.idx.msk [tilespmem:v47+s15+$0x0], $0xffff  }
0x4f: {  	v10 =	vld.idx.msk [tilespmem:v48+s15+$0x0], $0xffff;
	v4 =	vmul.f32 v14, v4;
	v3 =	vadd.f32 v5, v3  }
0x50: {  	v13 =	vld.idx.msk [tilespmem:v48+s17+$0x0], $0xffff;
	v5 =	vor.u32 $0xF, v2  }
0x51: {  	v6 =	vmul.f32 v49, v6;
	v14 =	vld.idx.msk [tilespmem:v7+s17+$0x0], $0xffff;
	v3 =	vadd.f32 v4, v3  }
0x52: {  	v7 =	vld.idx.msk [tilespmem:v7+s15+$0x0], $0xffff;
	v4 =	vor.u32 $0x10, v2  }
0x53: {  	v51 =	vld.idx.msk [tilespmem:v50+s17+$0x0], $0xffff;
	v9 =	vmul.f32 v12, v9;
	v3 =	vadd.f32 v6, v3  }
0x54: {  	v8 =	vld.idx.msk [tilespmem:v50+s15+$0x0], $0xffff;
	v6 =	vor.u32 $0x11, v2  }
0x55: {  	v10 =	vmul.f32 v13, v10;
	v12 =	vld.idx.msk [tilespmem:v5+s17+$0x0], $0xffff;
	v3 =	vadd.f32 v9, v3  }
0x56: {  	v52 =	vor.u32 $0x12, v2;
	v5 =	vld.idx.msk [tilespmem:v5+s15+$0x0], $0xffff  }
0x57: {  	v7 =	vmul.f32 v14, v7;
	v13 =	vld.idx.msk [tilespmem:v4+s17+$0x0], $0xffff;
	v3 =	vadd.f32 v10, v3  }
0x58: {  	v53 =	vor.u32 $0x13, v2;
	v4 =	vld.idx.msk [tilespmem:v4+s15+$0x0], $0xffff  }
0x59: {  	v8 =	vmul.f32 v51, v8;
	v14 =	vld.idx.msk [tilespmem:v6+s17+$0x0], $0xffff;
	v3 =	vadd.f32 v7, v3  }
0x5a: {  	v6 =	vld.idx.msk [tilespmem:v6+s15+$0x0], $0xffff;
	v7 =	vor.u32 $0x14, v2  }
0x5b: {  	v54 =	vld.idx.msk [tilespmem:v52+s17+$0x0], $0xffff;
	v5 =	vmul.f32 v12, v5;
	v3 =	vadd.f32 v8, v3  }
0x5c: {  	v55 =	vor.u32 $0x15, v2;
	v9 =	vld.idx.msk [tilespmem:v52+s15+$0x0], $0xffff  }
0x5d: {  	v10 =	vld.idx.msk [tilespmem:v53+s15+$0x0], $0xffff;
	v4 =	vmul.f32 v13, v4;
	v3 =	vadd.f32 v5, v3  }
0x5e: {  	v12 =	vld.idx.msk [tilespmem:v53+s17+$0x0], $0xffff;
	v5 =	vor.u32 $0x16, v2  }
0x5f: {  	v6 =	vmul.f32 v14, v6;
	v13 =	vld.idx.msk [tilespmem:v7+s17+$0x0], $0xffff;
	v3 =	vadd.f32 v4, v3  }
0x60: {  	v7 =	vld.idx.msk [tilespmem:v7+s15+$0x0], $0xffff;
	v4 =	vor.u32 $0x17, v2  }
0x61: {  	v9 =	vmul.f32 v54, v9;
	v8 =	vld.idx.msk [tilespmem:v55+s15+$0x0], $0xffff;
	v3 =	vadd.f32 v6, v3  }
0x62: {  	v14 =	vld.idx.msk [tilespmem:v55+s17+$0x0], $0xffff;
	v6 =	vor.u32 $0x18, v2  }
0x63: {  	v10 =	vmul.f32 v12, v10;
	v56 =	vld.idx.msk [tilespmem:v5+s17+$0x0], $0xffff;
	v3 =	vadd.f32 v9, v3  }
0x64: {  	v57 =	vor.u32 $0x19, v2;
	v5 =	vld.idx.msk [tilespmem:v5+s15+$0x0], $0xffff  }
0x65: {  	v7 =	vmul.f32 v13, v7;
	v12 =	vld.idx.msk [tilespmem:v4+s17+$0x0], $0xffff;
	v3 =	vadd.f32 v10, v3  }
0x66: {  	v58 =	vor.u32 $0x1A, v2;
	v4 =	vld.idx.msk [tilespmem:v4+s15+$0x0], $0xffff  }
0x67: {  	v8 =	vmul.f32 v14, v8;
	v13 =	vld.idx.msk [tilespmem:v6+s17+$0x0], $0xffff;
	v3 =	vadd.f32 v7, v3  }
0x68: {  	v6 =	vld.idx.msk [tilespmem:v6+s15+$0x0], $0xffff;
	v7 =	vor.u32 $0x1B, v2  }
0x69: {  	v14 =	vld.idx.msk [tilespmem:v57+s17+$0x0], $0xffff;
	v5 =	vmul.f32 v56, v5;
	v3 =	vadd.f32 v8, v3  }
0x6a: {  	v59 =	vor.u32 $0x1C, v2;
	v9 =	vld.idx.msk [tilespmem:v57+s15+$0x0], $0xffff  }
0x6b: {  	v60 =	vld.idx.msk [tilespmem:v58+s17+$0x0], $0xffff;
	v4 =	vmul.f32 v12, v4;
	v3 =	vadd.f32 v5, v3  }
0x6c: {  	v10 =	vld.idx.msk [tilespmem:v58+s15+$0x0], $0xffff;
	v5 =	vor.u32 $0x1D, v2  }
0x6d: {  	v6 =	vmul.f32 v13, v6;
	v12 =	vld.idx.msk [tilespmem:v7+s17+$0x0], $0xffff;
	v3 =	vadd.f32 v4, v3  }
0x6e: {  	v7 =	vld.idx.msk [tilespmem:v7+s15+$0x0], $0xffff;
	v4 =	vor.u32 $0x1E, v2  }
0x6f: {  	v9 =	vmul.f32 v14, v9;
	v13 =	vld.idx.msk [tilespmem:v59+s17+$0x0], $0xffff;
	v3 =	vadd.f32 v6, v3  }
0x70: {  	v2 =	vor.u32 $0x1F, v2;
	v6 =	vld.idx.msk [tilespmem:v59+s15+$0x0], $0xffff  }
0x71: {  	v10 =	vmul.f32 v60, v10;
	v61 =	vld.idx.msk [tilespmem:v5+s17+$0x0], $0xffff;
	v3 =	vadd.f32 v9, v3  }
0x72: {  	v5 =	vld.idx.msk [tilespmem:v5+s15+$0x0], $0xffff  }
0x73: {  	v7 =	vmul.f32 v12, v7;
	v62 =	vld.idx.msk [tilespmem:v4+s17+$0x0], $0xffff;
	v3 =	vadd.f32 v10, v3  }
0x74: {  	v4 =	vld.idx.msk [tilespmem:v4+s15+$0x0], $0xffff  }
0x75: {  	v63 =	vld.idx.msk [tilespmem:v2+s17+$0x0], $0xffff;
	v6 =	vmul.f32 v13, v6;
	v3 =	vadd.f32 v7, v3  }
0x76: {  	v2 =	vld.idx.msk [tilespmem:v2+s15+$0x0], $0xffff  }
0x77: {  	v5 =	vmul.f32 v61, v5;
	v3 =	vadd.f32 v6, v3;
	_ =	sdelay $0x1  }
0x78: {  	v4 =	vmul.f32 v62, v4;
	v3 =	vadd.f32 v5, v3;
	_ =	sdelay $0x1  }
0x79: {  	v2 =	vmul.f32 v63, v2;
	v3 =	vadd.f32 v4, v3;
	_ =	sdelay $0x1  }
0x7a: {  	v2 =	vadd.f32 v2, v3;
	_ =	sdelay $0x1  }
0x7b: {  	v2 =	vadd.f32 v2, v1;
	_ =	sdelay $0x1  }
0x7c: {  	v2 =	vsub.f32 $0.0e+00, v2;
	_ =	sdelay $0x1  }
0x7d: {  	v2 =	vmul.f32 $1.442695020e+00, v2;
	_ =	sdelay $0x1  }
0x7e: {  	(erf) = vpow2.f32 v2;
	_ =	sdelay $0x8  }
0x7f: {  	v2 =	vpop (erf)  }
0x80: {  	v2 =	vadd.f32 $1.000000000e+00, v2;
	_ =	sdelay $0x1  }
0x81: {  	(erf) = vrcp.f32 v2;
	_ =	sdelay $0x1  }
0x82: {  	s31 =	simm.s32 $0x10  }
0x83: {  	v3 =	vmov s31  }
0x84: {  	v3 =	vshll.u32 v3, $0x7  }
0x85: {  	v2 =	vor.u32 v0, v3  }
0x86: {  	s24 =	simm.s32 $0x20;
	s25 =	smov.u32 s21;
	s23 =	smov.u32 s21;
	v4 =	vor.u32 $0x1, v2;
	v3 =	vor.u32 $0x2, v2;
	v12 =	vor.u32 $0x3, v2  }
.LBB2_3:
0x87: {  	p0 =	sne.s32 s24, $0x30  }
0x88: {  	v13 =	vor.u32 $0x4, v2;
	v14 =	vor.u32 $0x5, v2;
	v15 =	vor.u32 $0x6, v2;
	s23 =	sadd.s32 $0x10, s23;
	s26 =	smov.u32 s24;
	s24 =	sadd.s32 $0x10, s24  }
0x89: {  	v16 =	vor.u32 $0x7, v2;
	v17 =	vor.u32 $0x8, v2;
	v18 =	vor.u32 $0x9, v2;
	v5 =	vpop (erf)  }
0x8a: {  	v19 =	vor.u32 $0xA, v2;
	v20 =	vor.u32 $0xB, v2;
	v21 =	vor.u32 $0xC, v2;
	[tilespmem:s25+$0x0] =	vst v5;
	s25 =	smov.u32 s23  }
0x8b: {  	v23 =	vor.u32 $0xD, v2;
	v24 =	vor.u32 $0xE, v2;
	v25 =	vor.u32 $0xF, v2;
	v22 =	vld.idx.msk [tilespmem:v2+s15+$0x0], $0xffff  }
0x8c: {  	v27 =	vor.u32 $0x10, v2;
	v28 =	vor.u32 $0x11, v2;
	v29 =	vor.u32 $0x12, v2;
	v26 =	vld.idx.msk [tilespmem:v4+s17+$0x0], $0xffff  }
0x8d: {  	v31 =	vor.u32 $0x13, v2;
	v32 =	vor.u32 $0x14, v2;
	v33 =	vor.u32 $0x15, v2;
	v30 =	vld.idx.msk [tilespmem:v2+s17+$0x0], $0xffff  }
0x8e: {  	v11 =	vor.u32 $0x16, v2;
	v10 =	vor.u32 $0x17, v2;
	v9 =	vor.u32 $0x18, v2;
	v34 =	vld.idx.msk [tilespmem:v4+s15+$0x0], $0xffff  }
0x8f: {  	v8 =	vor.u32 $0x19, v2;
	v7 =	vor.u32 $0x1A, v2;
	v6 =	vor.u32 $0x1B, v2;
	v35 =	vld.idx.msk [tilespmem:v3+s17+$0x0], $0xffff  }
0x90: {  	v5 =	vor.u32 $0x1C, v2;
	v4 =	vor.u32 $0x1D, v2;
	v36 =	vld.idx.msk [tilespmem:v3+s15+$0x0], $0xffff;
	v3 =	vor.u32 $0x1E, v2  }
0x91: {  	v2 =	vor.u32 $0x1F, v2;
	v37 =	vld.idx.msk [tilespmem:v12+s17+$0x0], $0xffff  }
0x92: {  	v12 =	vld.idx.msk [tilespmem:v12+s15+$0x0], $0xffff  }
0x93: {  	v22 =	vmul.f32 v30, v22;
	v30 =	vld.idx.msk [tilespmem:v13+s17+$0x0], $0xffff  }
0x94: {  	v26 =	vmul.f32 v26, v34;
	v13 =	vld.idx.msk [tilespmem:v13+s15+$0x0], $0xffff  }
0x95: {  	v22 =	vadd.f32 $0.0e+00, v22;
	v34 =	vld.idx.msk [tilespmem:v14+s17+$0x0], $0xffff  }
0x96: {  	v35 =	vmul.f32 v35, v36;
	v14 =	vld.idx.msk [tilespmem:v14+s15+$0x0], $0xffff  }
0x97: {  	v22 =	vadd.f32 v26, v22;
	v26 =	vld.idx.msk [tilespmem:v15+s17+$0x0], $0xffff  }
0x98: {  	v12 =	vmul.f32 v37, v12;
	v15 =	vld.idx.msk [tilespmem:v15+s15+$0x0], $0xffff  }
0x99: {  	v22 =	vadd.f32 v35, v22;
	v35 =	vld.idx.msk [tilespmem:v16+s17+$0x0], $0xffff  }
0x9a: {  	v13 =	vmul.f32 v30, v13;
	v16 =	vld.idx.msk [tilespmem:v16+s15+$0x0], $0xffff  }
0x9b: {  	v12 =	vadd.f32 v12, v22;
	v22 =	vld.idx.msk [tilespmem:v17+s17+$0x0], $0xffff  }
0x9c: {  	v14 =	vmul.f32 v34, v14;
	v17 =	vld.idx.msk [tilespmem:v17+s15+$0x0], $0xffff  }
0x9d: {  	v12 =	vadd.f32 v13, v12;
	v13 =	vld.idx.msk [tilespmem:v18+s17+$0x0], $0xffff  }
0x9e: {  	v15 =	vmul.f32 v26, v15;
	v18 =	vld.idx.msk [tilespmem:v18+s15+$0x0], $0xffff  }
0x9f: {  	v12 =	vadd.f32 v14, v12;
	v14 =	vld.idx.msk [tilespmem:v19+s17+$0x0], $0xffff  }
0xa0: {  	v16 =	vmul.f32 v35, v16;
	v19 =	vld.idx.msk [tilespmem:v19+s15+$0x0], $0xffff  }
0xa1: {  	v12 =	vadd.f32 v15, v12;
	v15 =	vld.idx.msk [tilespmem:v20+s17+$0x0], $0xffff  }
0xa2: {  	v17 =	vmul.f32 v22, v17;
	v20 =	vld.idx.msk [tilespmem:v20+s15+$0x0], $0xffff  }
0xa3: {  	v12 =	vadd.f32 v16, v12;
	v16 =	vld.idx.msk [tilespmem:v21+s17+$0x0], $0xffff  }
0xa4: {  	v13 =	vmul.f32 v13, v18;
	v18 =	vld.idx.msk [tilespmem:v21+s15+$0x0], $0xffff  }
0xa5: {  	v12 =	vadd.f32 v17, v12;
	v17 =	vld.idx.msk [tilespmem:v23+s17+$0x0], $0xffff  }
0xa6: {  	v14 =	vmul.f32 v14, v19;
	v19 =	vld.idx.msk [tilespmem:v23+s15+$0x0], $0xffff  }
0xa7: {  	v12 =	vadd.f32 v13, v12;
	v13 =	vld.idx.msk [tilespmem:v24+s17+$0x0], $0xffff  }
0xa8: {  	v15 =	vmul.f32 v15, v20;
	v20 =	vld.idx.msk [tilespmem:v24+s15+$0x0], $0xffff  }
0xa9: {  	v12 =	vadd.f32 v14, v12;
	v14 =	vld.idx.msk [tilespmem:v25+s17+$0x0], $0xffff  }
0xaa: {  	v16 =	vmul.f32 v16, v18;
	v18 =	vld.idx.msk [tilespmem:v25+s15+$0x0], $0xffff  }
0xab: {  	v12 =	vadd.f32 v15, v12;
	v15 =	vld.idx.msk [tilespmem:v27+s17+$0x0], $0xffff  }
0xac: {  	v17 =	vmul.f32 v17, v19;
	v19 =	vld.idx.msk [tilespmem:v27+s15+$0x0], $0xffff  }
0xad: {  	v12 =	vadd.f32 v16, v12;
	v16 =	vld.idx.msk [tilespmem:v28+s17+$0x0], $0xffff  }
0xae: {  	v13 =	vmul.f32 v13, v20;
	v20 =	vld.idx.msk [tilespmem:v28+s15+$0x0], $0xffff  }
0xaf: {  	v12 =	vadd.f32 v17, v12;
	v17 =	vld.idx.msk [tilespmem:v29+s17+$0x0], $0xffff  }
0xb0: {  	v14 =	vmul.f32 v14, v18;
	v18 =	vld.idx.msk [tilespmem:v29+s15+$0x0], $0xffff  }
0xb1: {  	v12 =	vadd.f32 v13, v12;
	v13 =	vld.idx.msk [tilespmem:v31+s17+$0x0], $0xffff  }
0xb2: {  	v15 =	vmul.f32 v15, v19;
	v19 =	vld.idx.msk [tilespmem:v31+s15+$0x0], $0xffff  }
0xb3: {  	v12 =	vadd.f32 v14, v12;
	v14 =	vld.idx.msk [tilespmem:v32+s17+$0x0], $0xffff  }
0xb4: {  	v16 =	vmul.f32 v16, v20;
	v20 =	vld.idx.msk [tilespmem:v32+s15+$0x0], $0xffff  }
0xb5: {  	v12 =	vadd.f32 v15, v12;
	v15 =	vld.idx.msk [tilespmem:v33+s17+$0x0], $0xffff  }
0xb6: {  	v17 =	vmul.f32 v17, v18;
	v18 =	vld.idx.msk [tilespmem:v33+s15+$0x0], $0xffff  }
0xb7: {  	v12 =	vadd.f32 v16, v12;
	v16 =	vld.idx.msk [tilespmem:v11+s17+$0x0], $0xffff  }
0xb8: {  	v13 =	vmul.f32 v13, v19;
	v11 =	vld.idx.msk [tilespmem:v11+s15+$0x0], $0xffff  }
0xb9: {  	v12 =	vadd.f32 v17, v12;
	v17 =	vld.idx.msk [tilespmem:v10+s17+$0x0], $0xffff  }
0xba: {  	v14 =	vmul.f32 v14, v20;
	v10 =	vld.idx.msk [tilespmem:v10+s15+$0x0], $0xffff  }
0xbb: {  	v12 =	vadd.f32 v13, v12;
	v13 =	vld.idx.msk [tilespmem:v9+s17+$0x0], $0xffff  }
0xbc: {  	v15 =	vmul.f32 v15, v18;
	v9 =	vld.idx.msk [tilespmem:v9+s15+$0x0], $0xffff  }
0xbd: {  	v12 =	vadd.f32 v14, v12;
	v14 =	vld.idx.msk [tilespmem:v8+s17+$0x0], $0xffff  }
0xbe: {  	v11 =	vmul.f32 v16, v11;
	v8 =	vld.idx.msk [tilespmem:v8+s15+$0x0], $0xffff  }
0xbf: {  	v12 =	vadd.f32 v15, v12;
	v15 =	vld.idx.msk [tilespmem:v7+s17+$0x0], $0xffff  }
0xc0: {  	v10 =	vmul.f32 v17, v10;
	v7 =	vld.idx.msk [tilespmem:v7+s15+$0x0], $0xffff  }
0xc1: {  	v11 =	vadd.f32 v11, v12;
	v12 =	vld.idx.msk [tilespmem:v6+s17+$0x0], $0xffff  }
0xc2: {  	v9 =	vmul.f32 v13, v9;
	v6 =	vld.idx.msk [tilespmem:v6+s15+$0x0], $0xffff  }
0xc3: {  	v10 =	vadd.f32 v10, v11;
	v11 =	vld.idx.msk [tilespmem:v5+s17+$0x0], $0xffff  }
0xc4: {  	v8 =	vmul.f32 v14, v8;
	v5 =	vld.idx.msk [tilespmem:v5+s15+$0x0], $0xffff  }
0xc5: {  	v9 =	vadd.f32 v9, v10;
	v10 =	vld.idx.msk [tilespmem:v4+s17+$0x0], $0xffff  }
0xc6: {  	v7 =	vmul.f32 v15, v7;
	v4 =	vld.idx.msk [tilespmem:v4+s15+$0x0], $0xffff  }
0xc7: {  	v8 =	vadd.f32 v8, v9;
	v9 =	vld.idx.msk [tilespmem:v3+s17+$0x0], $0xffff  }
0xc8: {  	v6 =	vmul.f32 v12, v6;
	v3 =	vld.idx.msk [tilespmem:v3+s15+$0x0], $0xffff  }
0xc9: {  	v7 =	vadd.f32 v7, v8;
	v8 =	vld.idx.msk [tilespmem:v2+s17+$0x0], $0xffff  }
0xca: {  	v5 =	vmul.f32 v11, v5;
	v2 =	vld.idx.msk [tilespmem:v2+s15+$0x0], $0xffff  }
0xcb: {  	v6 =	vadd.f32 v6, v7  }
0xcc: {  	v4 =	vmul.f32 v10, v4  }
0xcd: {  	v5 =	vadd.f32 v5, v6  }
0xce: {  	v3 =	vmul.f32 v9, v3  }
0xcf: {  	v4 =	vadd.f32 v4, v5  }
0xd0: {  	v2 =	vmul.f32 v8, v2  }
0xd1: {  	v3 =	vadd.f32 v3, v4;
	_ =	sdelay $0x1  }
0xd2: {  	v2 =	vadd.f32 v2, v3;
	_ =	sdelay $0x1  }
0xd3: {  	v2 =	vadd.f32 v2, v1;
	_ =	sdelay $0x1  }
0xd4: {  	v2 =	vsub.f32 $0.0e+00, v2;
	_ =	sdelay $0x1  }
0xd5: {  	v2 =	vmul.f32 $1.442695020e+00, v2;
	_ =	sdelay $0x1  }
0xd6: {  	(erf) = vpow2.f32 v2;
	_ =	sdelay $0x8  }
0xd7: {  	v2 =	vpop (erf)  }
0xd8: {  	v2 =	vadd.f32 $1.000000000e+00, v2;
	_ =	sdelay $0x1  }
0xd9: {  	(erf) = vrcp.f32 v2;
	_ =	sdelay $0x2  }
.Ltmp0:
0xda: {  	(pc) =	sbr.rel @p0 .LBB2_3-.Ltmp0, $4  }
0xdb: {  	v2 =	vmov s26  }
0xdc: {  	v2 =	vshll.u32 v2, $0x7  }
0xdd: {  	v2 =	vor.u32 v0, v2  }
0xde: {  	v4 =	vor.u32 $0x1, v2;
	v3 =	vor.u32 $0x2, v2;
	v12 =	vor.u32 $0x3, v2  }
0xdf: {  	_ =	sdelay $0x1  }
0xe0: {  	v5 =	vpop (erf)  }
0xe1: {  	[tilespmem:s25+$0x0] =	vst v5  }
0xe2: {  	v5 =	vld.idx.msk [tilespmem:v2+s15+$0x0], $0xffff  }
0xe3: {  	v6 =	vld.idx.msk [tilespmem:v2+s17+$0x0], $0xffff  }
0xe4: {  	v7 =	vld.idx.msk [tilespmem:v4+s17+$0x0], $0xffff  }
0xe5: {  	v8 =	vor.u32 $0x4, v2;
	v58 =	vld.idx.msk [tilespmem:v4+s15+$0x0], $0xffff  }
0xe6: {  	v9 =	vld.idx.msk [tilespmem:v3+s17+$0x0], $0xffff  }
0xe7: {  	v10 =	vor.u32 $0x5, v2;
	v3 =	vld.idx.msk [tilespmem:v3+s15+$0x0], $0xffff  }
0xe8: {  	v11 =	vld.idx.msk [tilespmem:v12+s17+$0x0], $0xffff;
	v5 =	vmul.f32 v6, v5  }
0xe9: {  	v59 =	vor.u32 $0x6, v2;
	v60 =	vld.idx.msk [tilespmem:v12+s15+$0x0], $0xffff  }
0xea: {  	v13 =	vld.idx.msk [tilespmem:v8+s17+$0x0], $0xffff;
	v4 =	vmul.f32 v7, v58;
	v5 =	vadd.f32 $0.0e+00, v5  }
0xeb: {  	v61 =	vor.u32 $0x7, v2;
	v8 =	vld.idx.msk [tilespmem:v8+s15+$0x0], $0xffff  }
0xec: {  	v14 =	vld.idx.msk [tilespmem:v10+s17+$0x0], $0xffff;
	v3 =	vmul.f32 v9, v3;
	v4 =	vadd.f32 v4, v5  }
0xed: {  	v62 =	vor.u32 $0x8, v2;
	v63 =	vld.idx.msk [tilespmem:v10+s15+$0x0], $0xffff  }
0xee: {  	v16 =	vld.idx.msk [tilespmem:v59+s17+$0x0], $0xffff;
	v11 =	vmul.f32 v11, v60;
	v3 =	vadd.f32 v3, v4  }
0xef: {  	v17 =	vor.u32 $0x9, v2;
	v6 =	vld.idx.msk [tilespmem:v59+s15+$0x0], $0xffff  }
0xf0: {  	v18 =	vld.idx.msk [tilespmem:v61+s17+$0x0], $0xffff;
	v8 =	vmul.f32 v13, v8;
	v3 =	vadd.f32 v11, v3  }
0xf1: {  	v19 =	vor.u32 $0xA, v2;
	v7 =	vld.idx.msk [tilespmem:v61+s15+$0x0], $0xffff  }
0xf2: {  	v20 =	vld.idx.msk [tilespmem:v62+s17+$0x0], $0xffff;
	v9 =	vmul.f32 v14, v63;
	v3 =	vadd.f32 v8, v3  }
0xf3: {  	v21 =	vor.u32 $0xB, v2;
	v5 =	vld.idx.msk [tilespmem:v62+s15+$0x0], $0xffff  }
0xf4: {  	v22 =	vld.idx.msk [tilespmem:v17+s17+$0x0], $0xffff;
	v6 =	vmul.f32 v16, v6;
	v3 =	vadd.f32 v9, v3  }
0xf5: {  	v23 =	vor.u32 $0xC, v2;
	v4 =	vld.idx.msk [tilespmem:v17+s15+$0x0], $0xffff  }
0xf6: {  	v24 =	vld.idx.msk [tilespmem:v19+s17+$0x0], $0xffff;
	v7 =	vmul.f32 v18, v7;
	v3 =	vadd.f32 v6, v3  }
0xf7: {  	v25 =	vor.u32 $0xD, v2;
	v11 =	vld.idx.msk [tilespmem:v19+s15+$0x0], $0xffff  }
0xf8: {  	v26 =	vld.idx.msk [tilespmem:v21+s17+$0x0], $0xffff;
	v5 =	vmul.f32 v20, v5;
	v3 =	vadd.f32 v7, v3  }
0xf9: {  	v27 =	vor.u32 $0xE, v2;
	v8 =	vld.idx.msk [tilespmem:v21+s15+$0x0], $0xffff  }
0xfa: {  	v28 =	vld.idx.msk [tilespmem:v23+s17+$0x0], $0xffff;
	v4 =	vmul.f32 v22, v4;
	v3 =	vadd.f32 v5, v3  }
0xfb: {  	v29 =	vor.u32 $0xF, v2;
	v9 =	vld.idx.msk [tilespmem:v23+s15+$0x0], $0xffff  }
0xfc: {  	v30 =	vld.idx.msk [tilespmem:v25+s17+$0x0], $0xffff;
	v10 =	vmul.f32 v24, v11;
	v3 =	vadd.f32 v4, v3  }
0xfd: {  	v31 =	vor.u32 $0x10, v2;
	v6 =	vld.idx.msk [tilespmem:v25+s15+$0x0], $0xffff  }
0xfe: {  	v32 =	vld.idx.msk [tilespmem:v27+s17+$0x0], $0xffff;
	v8 =	vmul.f32 v26, v8;
	v3 =	vadd.f32 v10, v3  }
0xff: {  	v33 =	vor.u32 $0x11, v2;
	v7 =	vld.idx.msk [tilespmem:v27+s15+$0x0], $0xffff  }
0x100: {  	v34 =	vld.idx.msk [tilespmem:v29+s17+$0x0], $0xffff;
	v9 =	vmul.f32 v28, v9;
	v3 =	vadd.f32 v8, v3  }
0x101: {  	v35 =	vor.u32 $0x12, v2;
	v5 =	vld.idx.msk [tilespmem:v29+s15+$0x0], $0xffff  }
0x102: {  	v36 =	vld.idx.msk [tilespmem:v31+s17+$0x0], $0xffff;
	v6 =	vmul.f32 v30, v6;
	v3 =	vadd.f32 v9, v3  }
0x103: {  	v37 =	vor.u32 $0x13, v2;
	v4 =	vld.idx.msk [tilespmem:v31+s15+$0x0], $0xffff  }
0x104: {  	v38 =	vld.idx.msk [tilespmem:v33+s17+$0x0], $0xffff;
	v7 =	vmul.f32 v32, v7;
	v3 =	vadd.f32 v6, v3  }
0x105: {  	v39 =	vor.u32 $0x14, v2;
	v10 =	vld.idx.msk [tilespmem:v33+s15+$0x0], $0xffff  }
0x106: {  	v40 =	vld.idx.msk [tilespmem:v35+s17+$0x0], $0xffff;
	v5 =	vmul.f32 v34, v5;
	v3 =	vadd.f32 v7, v3  }
0x107: {  	v41 =	vor.u32 $0x15, v2;
	v8 =	vld.idx.msk [tilespmem:v35+s15+$0x0], $0xffff  }
0x108: {  	v42 =	vld.idx.msk [tilespmem:v37+s17+$0x0], $0xffff;
	v4 =	vmul.f32 v36, v4;
	v3 =	vadd.f32 v5, v3  }
0x109: {  	v43 =	vor.u32 $0x16, v2;
	v9 =	vld.idx.msk [tilespmem:v37+s15+$0x0], $0xffff  }
0x10a: {  	v44 =	vld.idx.msk [tilespmem:v39+s17+$0x0], $0xffff;
	v10 =	vmul.f32 v38, v10;
	v3 =	vadd.f32 v4, v3  }
0x10b: {  	v45 =	vor.u32 $0x17, v2;
	v6 =	vld.idx.msk [tilespmem:v39+s15+$0x0], $0xffff  }
0x10c: {  	v46 =	vld.idx.msk [tilespmem:v41+s17+$0x0], $0xffff;
	v8 =	vmul.f32 v40, v8;
	v3 =	vadd.f32 v10, v3  }
0x10d: {  	v47 =	vor.u32 $0x18, v2;
	v7 =	vld.idx.msk [tilespmem:v41+s15+$0x0], $0xffff  }
0x10e: {  	v48 =	vld.idx.msk [tilespmem:v43+s17+$0x0], $0xffff;
	v9 =	vmul.f32 v42, v9;
	v3 =	vadd.f32 v8, v3  }
0x10f: {  	v49 =	vor.u32 $0x19, v2;
	v5 =	vld.idx.msk [tilespmem:v43+s15+$0x0], $0xffff  }
0x110: {  	v50 =	vld.idx.msk [tilespmem:v45+s17+$0x0], $0xffff;
	v6 =	vmul.f32 v44, v6;
	v3 =	vadd.f32 v9, v3  }
0x111: {  	v51 =	vor.u32 $0x1A, v2;
	v4 =	vld.idx.msk [tilespmem:v45+s15+$0x0], $0xffff  }
0x112: {  	v52 =	vld.idx.msk [tilespmem:v47+s17+$0x0], $0xffff;
	v7 =	vmul.f32 v46, v7;
	v3 =	vadd.f32 v6, v3  }
0x113: {  	v53 =	vor.u32 $0x1B, v2;
	v10 =	vld.idx.msk [tilespmem:v47+s15+$0x0], $0xffff  }
0x114: {  	v54 =	vld.idx.msk [tilespmem:v49+s17+$0x0], $0xffff;
	v5 =	vmul.f32 v48, v5;
	v3 =	vadd.f32 v7, v3  }
0x115: {  	v55 =	vor.u32 $0x1C, v2;
	v8 =	vld.idx.msk [tilespmem:v49+s15+$0x0], $0xffff  }
0x116: {  	v56 =	vld.idx.msk [tilespmem:v51+s17+$0x0], $0xffff;
	v4 =	vmul.f32 v50, v4;
	v3 =	vadd.f32 v5, v3  }
0x117: {  	v57 =	vor.u32 $0x1D, v2;
	v9 =	vld.idx.msk [tilespmem:v51+s15+$0x0], $0xffff  }
0x118: {  	v58 =	vld.idx.msk [tilespmem:v53+s17+$0x0], $0xffff;
	v10 =	vmul.f32 v52, v10;
	v3 =	vadd.f32 v4, v3  }
0x119: {  	v59 =	vor.u32 $0x1E, v2;
	v6 =	vld.idx.msk [tilespmem:v53+s15+$0x0], $0xffff  }
0x11a: {  	v60 =	vld.idx.msk [tilespmem:v55+s17+$0x0], $0xffff;
	v8 =	vmul.f32 v54, v8;
	v3 =	vadd.f32 v10, v3  }
0x11b: {  	v2 =	vor.u32 $0x1F, v2;
	v7 =	vld.idx.msk [tilespmem:v55+s15+$0x0], $0xffff  }
0x11c: {  	v61 =	vld.idx.msk [tilespmem:v57+s17+$0x0], $0xffff;
	v9 =	vmul.f32 v56, v9;
	v3 =	vadd.f32 v8, v3  }
0x11d: {  	v5 =	vld.idx.msk [tilespmem:v57+s15+$0x0], $0xffff  }
0x11e: {  	v62 =	vld.idx.msk [tilespmem:v59+s17+$0x0], $0xffff;
	v6 =	vmul.f32 v58, v6;
	v3 =	vadd.f32 v9, v3  }
0x11f: {  	v4 =	vld.idx.msk [tilespmem:v59+s15+$0x0], $0xffff  }
0x120: {  	v63 =	vld.idx.msk [tilespmem:v2+s17+$0x0], $0xffff;
	v7 =	vmul.f32 v60, v7;
	v3 =	vadd.f32 v6, v3  }
0x121: {  	v2 =	vld.idx.msk [tilespmem:v2+s15+$0x0], $0xffff  }
0x122: {  	v5 =	vmul.f32 v61, v5;
	v3 =	vadd.f32 v7, v3;
	_ =	sdelay $0x1  }
0x123: {  	v4 =	vmul.f32 v62, v4;
	v3 =	vadd.f32 v5, v3;
	_ =	sdelay $0x1  }
0x124: {  	v2 =	vmul.f32 v63, v2;
	v3 =	vadd.f32 v4, v3;
	_ =	sdelay $0x1  }
0x125: {  	v2 =	vadd.f32 v2, v3;
	_ =	sdelay $0x1  }
0x126: {  	v2 =	vadd.f32 v2, v1;
	_ =	sdelay $0x1  }
0x127: {  	v2 =	vsub.f32 $0.0e+00, v2;
	_ =	sdelay $0x1  }
0x128: {  	v2 =	vmul.f32 $1.442695020e+00, v2;
	_ =	sdelay $0x1  }
0x129: {  	(erf) = vpow2.f32 v2;
	_ =	sdelay $0x8  }
0x12a: {  	v2 =	vpop (erf)  }
0x12b: {  	v2 =	vadd.f32 $1.000000000e+00, v2;
	_ =	sdelay $0x1  }
0x12c: {  	(erf) = vrcp.f32 v2;
	_ =	sdelay $0x3  }
0x12d: {  	s22 =	sadd.s32 $0x1, s22  }
0x12e: {  	p0 =	sne.s32 s22, $0x8  }
.Ltmp1:
0x12f: {  	_ = 	snop;
	(pc) =	sbr.rel @p0 .LBB2_2-.Ltmp1, $3  }
0x130: {  	_ =	sdelay $0x1  }
0x131: {  	s23 =	sadd.s32 $0x10, s23;
	v2 =	vpop (erf)  }
0x132: {  	s21 =	sadd.s32 $0x40, s21;
	[tilespmem:s23+$0x0] =	vst v2  }
0x133: {  	s20 =	sadd.s32 $0x1, s20  }
0x134: {  	p0 =	sne.s32 s20, s9  }
.Ltmp2:
0x135: {  	_ = 	snop;
	(pc) =	sbr.rel @p0 .LBB2_1-.Ltmp2, $4  }
0x136: {  	[hbm4b:s8+s5] =	stream.linear.scatter [tilespmem:s19], [sflag:$0x2], $0x200, $0x38;
	[tilespmem:$0x4690] =	vst v63  }
0x137: {  	_ =	swait.ge [sflag:s10], $0x200  }
0x138: {  	[sflag:s10] =	ssyncset.done $0x0  }
0x139: {  	[sflag:s10] =	ssyncadd.s32 $0xFFFFFE00  }
0x13a: {  	_ =	sfence.sel $0x180000  }
0x13b: {  	[bflag:$0x0] =	sbarrier.arrive $0xFFFF  }
0x13c: {  	p0 =	sne.s32 s4, $0x0;
	_ =	strace $0x90000047  }
0x13d: {  	s0 =	sadd.s32 @!p0 $0x100000, s0;
	[bflag:$0x2] =	sbarrier.arrive $0xFFFF  }
0x13e: {  	[sflag:s0] =	ssyncadd.tile.s32 @!p0 $0x1;
	_ =	shalt  }
.Lfunc_end2:
_tile_overlayer_lowered:
.L_overlay_start_2:
0x13f: {  	(tag) =	ssettag $0x2  }
0x140: {  	s0 =	rddreg [dreg:$0x0];
	s2 =	stileid.u32  }
0x141: {  	s1 =	rddreg [dreg:$0x1];
	p0 =	sne.s32 s2, $0x0  }
0x142: {  	s3 =	rddreg [dreg:$0x2];
	[bflag:$0x3] =	sbarrier.arrive $0xFFFF;
	s2 =	simm.s32 @!p0 $0x1C02  }
0x143: {  	[timem:s3], [sflag:s2] =	dma.local @!p0 [hbm:s0], s1  }
0x144: {  	s0 =	simm.s32 @!p0 $0x2  }
0x145: {  	_ =	swait.ge @!p0 [sflag:s0], s1  }
0x146: {  	s1 =	ssub.s32 @!p0 $0x0, s1;
	[sflag:s0] =	ssyncset.done @!p0 $0x0  }
0x147: {  	[sflag:s0] =	ssyncadd.s32 @!p0 s1  }
0x148: {  	[bflag:$0x3] =	sbarrier.arrive $0xFFFF  }
0x149: {  	_ =	shalt  }

</sc_bundles>
